<compile_context>
chip_gen: v7x
topology: tpu7x:2x2x1
jax: 0.10.2.dev20260603
libtpu: 0.0.44.dev20260713+nightly
codegen_flags: <defaults>
</compile_context>

<pallas_src>
import jax
import jax.numpy as jnp
from jax import lax
from jax.experimental import pallas as pl
from jax.experimental.pallas import tpu as pltpu
from jax.experimental.pallas import tpu_sc as plsc

VOCAB = 1000000
EMB_DIM = 64
BATCH = 16384
HIST = 50

NUM_CORES = 2
NUM_SUBCORES = 16
NUM_WORKERS = NUM_CORES * NUM_SUBCORES

S_PER_W = BATCH // NUM_WORKERS
S_CHUNK = 16
N_CHUNKS = S_PER_W // S_CHUNK


def _gather_body(
    idx_hbm, table_hbm, out_hbm,
    idx_a, idx_b, rows_a, rows_b, g_a, g_b, so_a, so_b,
):
    wid = lax.axis_index("s") * NUM_CORES + lax.axis_index("c")
    base_s = wid * S_PER_W

    def do_chunk(i, idx_v, rows_v, gsem, osem):
        s0 = base_s + i * S_CHUNK
        pltpu.sync_copy(idx_hbm.at[pl.ds(s0, S_CHUNK)], idx_v)

        @pl.when(i >= 2)
        def _drain_prev():
            pltpu.make_async_copy(
                rows_v, out_hbm.at[pl.ds(s0 - 2 * S_CHUNK, S_CHUNK)], osem
            ).wait()

        copies = [
            pltpu.async_copy(
                table_hbm.at[idx_v.at[j]],
                rows_v.at[j],
                gsem,
            )
            for j in range(S_CHUNK)
        ]
        for cp in copies:
            cp.wait()
        pltpu.async_copy(rows_v, out_hbm.at[pl.ds(s0, S_CHUNK)], osem)

    def ring_body(k2, carry):
        do_chunk(2 * k2, idx_a, rows_a, g_a, so_a)
        do_chunk(2 * k2 + 1, idx_b, rows_b, g_b, so_b)
        return carry

    lax.fori_loop(0, N_CHUNKS // 2, ring_body, 0)

    last = base_s + (N_CHUNKS - 2) * S_CHUNK
    pltpu.make_async_copy(rows_a, out_hbm.at[pl.ds(last, S_CHUNK)], so_a).wait()
    pltpu.make_async_copy(
        rows_b, out_hbm.at[pl.ds(last + S_CHUNK, S_CHUNK)], so_b
    ).wait()


@jax.jit
def kernel(batch, table):
    mesh = plsc.VectorSubcoreMesh(core_axis_name="c", subcore_axis_name="s")
    return pl.kernel(
        _gather_body,
        out_type=jax.ShapeDtypeStruct((BATCH, HIST, EMB_DIM), jnp.float32),
        mesh=mesh,
        compiler_params=pltpu.CompilerParams(use_tc_tiling_on_sc=False),
        scratch_types=[
            pltpu.VMEM((S_CHUNK, HIST), jnp.int32),
            pltpu.VMEM((S_CHUNK, HIST), jnp.int32),
            pltpu.VMEM((S_CHUNK, HIST, EMB_DIM), jnp.float32),
            pltpu.VMEM((S_CHUNK, HIST, EMB_DIM), jnp.float32),
            pltpu.SemaphoreType.DMA,
            pltpu.SemaphoreType.DMA,
            pltpu.SemaphoreType.DMA,
            pltpu.SemaphoreType.DMA,
        ],
    )(batch.astype(jnp.int32), table)

# --- scband reference (transcript-rebuilt; emitter-appended) ---
"""Pipeline reference for scband-embeddings-module-75273596829891 (READ-ONLY COPY).

The authoritative reference and input builder live on the scoring server;
editing this copy changes nothing except your own understanding.
"""

import jax, jax.numpy as jnp
import numpy as np

VOCAB = 1000000
EMB_DIM = 64
BATCH = 16384
HIST = 50


def setup_inputs(seed: int = 0) -> dict:
    key = jax.random.key(seed)
    k_idx, k_tab = jax.random.split(key)
    batch = jax.random.randint(k_idx, (BATCH, HIST), 0, VOCAB, dtype=jnp.int64 if jax.config.jax_enable_x64 else jnp.int32)
    # Embedding table (nn.Embedding default init: N(0, 1)); padding_idx=0 row is zeroed.
    table = jax.random.normal(k_tab, (VOCAB, EMB_DIM), dtype=jnp.float32)
    table = table.at[0].set(0.0)
    return {"batch": batch, "table": table}


def reference(batch, table):
    # torch.nn.Embedding(emb_size, emb_dims, padding_idx=0): gather rows, row 0 is all-zeros.
    table_masked = table.at[0].set(0.0)
    out = jnp.take(table_masked, batch, axis=0)  # [B, L, D]
    return out

if __name__ == "__main__":
    import jax
    _d = setup_inputs()
    print(jax.jit(kernel)(*tuple(_d.values())))

</pallas_src>

<mosaic_0001>
#map = affine_map<(d0, d1) -> (0, 0)>
#map1 = affine_map<(d0, d1) -> (0, 0, 0)>
module attributes {stable_mosaic.version = 14 : i64} {
  func.func @_gather_body(%arg0: i32, %arg1: i32, %arg2: memref<16384x50xi32, #tpu.memory_space<hbm>>, %arg3: memref<1000000x64xf32, #tpu.memory_space<hbm>>, %arg4: memref<16384x50x64xf32, #tpu.memory_space<hbm>>, %arg5: memref<16x50xi32, #tpu.memory_space<vmem>>, %arg6: memref<16x50xi32, #tpu.memory_space<vmem>>, %arg7: memref<16x50x64xf32, #tpu.memory_space<vmem>>, %arg8: memref<16x50x64xf32, #tpu.memory_space<vmem>>, %arg9: memref<!tpu.dma_semaphore, #tpu.memory_space<semaphore_mem>>, %arg10: memref<!tpu.dma_semaphore, #tpu.memory_space<semaphore_mem>>, %arg11: memref<!tpu.dma_semaphore, #tpu.memory_space<semaphore_mem>>, %arg12: memref<!tpu.dma_semaphore, #tpu.memory_space<semaphore_mem>>) attributes {dimension_semantics = [#tpu.dimension_semantics<core_parallel>, #tpu.dimension_semantics<subcore_parallel>], iteration_bounds = array<i64: 2, 16>, scalar_prefetch = 0 : i64, scratch_operands = 8 : i64, tpu.core_type = #tpu.core_type<sc_vector_subcore>, window_params = [{transform_indices = #map}, {transform_indices = #map}, {transform_indices = #map1}]} {
    %mul3A = arith.constant 2 : i32
    %mul3A_0 = arith.muli %arg1, %mul3A : i32
    %add3A = arith.addi %mul3A_0, %arg0 : i32
    %mul3A_1 = arith.constant 512 : i32
    %mul3A_2 = arith.muli %add3A, %mul3A_1 : i32
    %scan3A = arith.constant 0 : i32
    %scan3A_3 = arith.constant 0 : i32
    %scan3A_4 = arith.constant 16 : i32
    %scan3A_5 = arith.addi %scan3A_3, %scan3A_4 : i32
    %scan3A_6 = arith.constant 1 : i32
    scf.for %scan3A_23 = %scan3A_3 to %scan3A_5 step %scan3A_6  : i32 {
      %mul3A_24 = arith.constant 2 : i32
      %mul3A_25 = arith.muli %mul3A_24, %scan3A_23 : i32
      %mul3A_26 = arith.constant 16 : i32
      %mul3A_27 = arith.muli %mul3A_25, %mul3A_26 : i32
      %add3A_28 = arith.addi %mul3A_2, %mul3A_27 : i32
      "tpu.region"() ({
        %run_scoped3A = tpu.sem_alloc : memref<!tpu.dma_semaphore, #tpu.memory_space<semaphore_mem>>
        %dma_start3A_822 = arith.constant 0 : i32
        %dma_start3A_823 = tpu.memref_slice %arg2[%add3A_28, %dma_start3A_822] : memref<16384x50xi32, #tpu.memory_space<hbm>> -> memref<16x50xi32, #tpu.memory_space<hbm>>
        %dma_start3A_824 = arith.constant 0 : i32
        %dma_start3A_825 = tpu.memref_slice %arg2[%add3A_28, %dma_start3A_824] : memref<16384x50xi32, #tpu.memory_space<hbm>> -> memref<16x50xi32, #tpu.memory_space<hbm>>
        tpu.enqueue_dma source(%dma_start3A_825 : memref<16x50xi32, #tpu.memory_space<hbm>>) target(%arg5 : memref<16x50xi32, #tpu.memory_space<vmem>>) target_semaphore(%run_scoped3A : memref<!tpu.dma_semaphore, #tpu.memory_space<semaphore_mem>>)
        %dma_wait3A_826 = arith.constant 0 : i32
        %dma_wait3A_827 = tpu.memref_slice %arg2[%add3A_28, %dma_wait3A_826] : memref<16384x50xi32, #tpu.memory_space<hbm>> -> memref<16x50xi32, #tpu.memory_space<hbm>>
        %dma_wait3A_828 = arith.constant 0 : i32
        %dma_wait3A_829 = tpu.memref_slice %arg2[%add3A_28, %dma_wait3A_828] : memref<16384x50xi32, #tpu.memory_space<hbm>> -> memref<16x50xi32, #tpu.memory_space<hbm>>
        tpu.wait_dma2 semaphore(%run_scoped3A : memref<!tpu.dma_semaphore, #tpu.memory_space<semaphore_mem>>) src(%dma_wait3A_829 : memref<16x50xi32, #tpu.memory_space<hbm>>) dst(%arg5 : memref<16x50xi32, #tpu.memory_space<vmem>>)
        tpu.yield
      }) : () -> ()
      %ge3A = arith.constant 2 : i32
      %ge3A_29 = arith.cmpi sge, %mul3A_25, %ge3A : i32
      %convert_element_type3A = arith.extui %ge3A_29 : i1 to i32
      %cond3A = arith.constant 0 : i32
      %cond3A_30 = arith.cmpi ne, %convert_element_type3A, %cond3A : i32
      scf.if %cond3A_30 {
        %sub3A = arith.constant 32 : i32
        %sub3A_822 = arith.subi %add3A_28, %sub3A : i32
        %dma_wait3A_823 = arith.constant 0 : i32
        %dma_wait3A_824 = arith.constant 0 : i32
        %dma_wait3A_825 = tpu.memref_slice %arg4[%sub3A_822, %dma_wait3A_823, %dma_wait3A_824] : memref<16384x50x64xf32, #tpu.memory_space<hbm>> -> memref<16x50x64xf32, #tpu.memory_space<hbm>>
        %dma_wait3A_826 = arith.constant 0 : i32
        %dma_wait3A_827 = arith.constant 0 : i32
        %dma_wait3A_828 = tpu.memref_slice %arg4[%sub3A_822, %dma_wait3A_826, %dma_wait3A_827] : memref<16384x50x64xf32, #tpu.memory_space<hbm>> -> memref<16x50x64xf32, #tpu.memory_space<hbm>>
        tpu.wait_dma2 semaphore(%arg11 : memref<!tpu.dma_semaphore, #tpu.memory_space<semaphore_mem>>) src(%arg7 : memref<16x50x64xf32, #tpu.memory_space<vmem>>) dst(%dma_wait3A_828 : memref<16x50x64xf32, #tpu.memory_space<hbm>>)
      } else {
      }
      %dma_start3A = arith.constant 0 : i32
      %dma_start3A_31 = arith.constant 0 : i32
      %dma_start3A_32 = arith.constant 0 : i32
      %dma_start3A_33 = arith.constant 0 : i32
      %dma_start3A_34 = tpu.memref_slice %arg7[%dma_start3A_31, %dma_start3A_32, %dma_start3A_33] : memref<16x50x64xf32, #tpu.memory_space<vmem>> -> memref<1x50x64xf32, #tpu.memory_space<vmem>>
      %dma_start3A_35 = tpu.memref_squeeze %dma_start3A_34 : memref<1x50x64xf32, #tpu.memory_space<vmem>> -> memref<50x64xf32, #tpu.memory_space<vmem>>
      %dma_start3A_36 = arith.constant 0 : i32
      %dma_start3A_37 = tpu.memref_slice %arg5[%dma_start3A, %dma_start3A_36] : memref<16x50xi32, #tpu.memory_space<vmem>> -> memref<1x50xi32, #tpu.memory_space<vmem>>
      %dma_start3A_38 = tpu.memref_squeeze %dma_start3A_37 : memref<1x50xi32, #tpu.memory_space<vmem>> -> memref<50xi32, #tpu.memory_space<vmem>>
      %dma_start3A_39 = arith.constant 0 : i32
      %dma_start3A_40 = arith.constant 0 : i32
      %dma_start3A_41 = tpu.memref_slice %arg3[%dma_start3A_39, %dma_start3A_40] : memref<1000000x64xf32, #tpu.memory_space<hbm>> -> memref<1000000x64xf32, #tpu.memory_space<hbm>>
      tpu.enqueue_indirect_dma source(%dma_start3A_41 : memref<1000000x64xf32, #tpu.memory_space<hbm>>) target(%dma_start3A_35 : memref<50x64xf32, #tpu.memory_space<vmem>>) offsets(%dma_start3A_38 : memref<50xi32, #tpu.memory_space<vmem>>) semaphore(%arg9 : memref<!tpu.dma_semaphore, #tpu.memory_space<semaphore_mem>>)
      %dma_start3A_42 = arith.constant 1 : i32
      %dma_start3A_43 = arith.constant 1 : i32
      %dma_start3A_44 = arith.constant 0 : i32
      %dma_start3A_45 = arith.constant 0 : i32
      %dma_start3A_46 = tpu.memref_slice %arg7[%dma_start3A_43, %dma_start3A_44, %dma_start3A_45] : memref<16x50x64xf32, #tpu.memory_space<vmem>> -> memref<1x50x64xf32, #tpu.memory_space<vmem>>
      %dma_start3A_47 = tpu.memref_squeeze %dma_start3A_46 : memref<1x50x64xf32, #tpu.memory_space<vmem>> -> memref<50x64xf32, #tpu.memory_space<vmem>>
      %dma_start3A_48 = arith.constant 0 : i32
      %dma_start3A_49 = tpu.memref_slice %arg5[%dma_start3A_42, %dma_start3A_48] : memref<16x50xi32, #tpu.memory_space<vmem>> -> memref<1x50xi32, #tpu.memory_space<vmem>>
      %dma_start3A_50 = tpu.memref_squeeze %dma_start3A_49 : memref<1x50xi32, #tpu.memory_space<vmem>> -> memref<50xi32, #tpu.memory_space<vmem>>
      %dma_start3A_51 = arith.constant 0 : i32
      %dma_start3A_52 = arith.constant 0 : i32
      %dma_start3A_53 = tpu.memref_slice %arg3[%dma_start3A_51, %dma_start3A_52] : memref<1000000x64xf32, #tpu.memory_space<hbm>> -> memref<1000000x64xf32, #tpu.memory_space<hbm>>
      tpu.enqueue_indirect_dma source(%dma_start3A_53 : memref<1000000x64xf32, #tpu.memory_space<hbm>>) target(%dma_start3A_47 : memref<50x64xf32, #tpu.memory_space<vmem>>) offsets(%dma_start3A_50 : memref<50xi32, #tpu.memory_space<vmem>>) semaphore(%arg9 : memref<!tpu.dma_semaphore, #tpu.memory_space<semaphore_mem>>)
      %dma_start3A_54 = arith.constant 2 : i32
      %dma_start3A_55 = arith.constant 2 : i32
      %dma_start3A_56 = arith.constant 0 : i32
      %dma_start3A_57 = arith.constant 0 : i32
      %dma_start3A_58 = tpu.memref_slice %arg7[%dma_start3A_55, %dma_start3A_56, %dma_start3A_57] : memref<16x50x64xf32, #tpu.memory_space<vmem>> -> memref<1x50x64xf32, #tpu.memory_space<vmem>>
      %dma_start3A_59 = tpu.memref_squeeze %dma_start3A_58 : memref<1x50x64xf32, #tpu.memory_space<vmem>> -> memref<50x64xf32, #tpu.memory_space<vmem>>
      %dma_start3A_60 = arith.constant 0 : i32
      %dma_start3A_61 = tpu.memref_slice %arg5[%dma_start3A_54, %dma_start3A_60] : memref<16x50xi32, #tpu.memory_space<vmem>> -> memref<1x50xi32, #tpu.memory_space<vmem>>
      %dma_start3A_62 = tpu.memref_squeeze %dma_start3A_61 : memref<1x50xi32, #tpu.memory_space<vmem>> -> memref<50xi32, #tpu.memory_space<vmem>>
      %dma_start3A_63 = arith.constant 0 : i32
      %dma_start3A_64 = arith.constant 0 : i32
      %dma_start3A_65 = tpu.memref_slice %arg3[%dma_start3A_63, %dma_start3A_64] : memref<1000000x64xf32, #tpu.memory_space<hbm>> -> memref<1000000x64xf32, #tpu.memory_space<hbm>>
      tpu.enqueue_indirect_dma source(%dma_start3A_65 : memref<1000000x64xf32, #tpu.memory_space<hbm>>) target(%dma_start3A_59 : memref<50x64xf32, #tpu.memory_space<vmem>>) offsets(%dma_start3A_62 : memref<50xi32, #tpu.memory_space<vmem>>) semaphore(%arg9 : memref<!tpu.dma_semaphore, #tpu.memory_space<semaphore_mem>>)
      %dma_start3A_66 = arith.constant 3 : i32
      %dma_start3A_67 = arith.constant 3 : i32
      %dma_start3A_68 = arith.constant 0 : i32
      %dma_start3A_69 = arith.constant 0 : i32
      %dma_start3A_70 = tpu.memref_slice %arg7[%dma_start3A_67, %dma_start3A_68, %dma_start3A_69] : memref<16x50x64xf32, #tpu.memory_space<vmem>> -> memref<1x50x64xf32, #tpu.memory_space<vmem>>
      %dma_start3A_71 = tpu.memref_squeeze %dma_start3A_70 : memref<1x50x64xf32, #tpu.memory_space<vmem>> -> memref<50x64xf32, #tpu.memory_space<vmem>>
      %dma_start3A_72 = arith.constant 0 : i32
      %dma_start3A_73 = tpu.memref_slice %arg5[%dma_start3A_66, %dma_start3A_72] : memref<16x50xi32, #tpu.memory_space<vmem>> -> memref<1x50xi32, #tpu.memory_space<vmem>>
      %dma_start3A_74 = tpu.memref_squeeze %dma_start3A_73 : memref<1x50xi32, #tpu.memory_space<vmem>> -> memref<50xi32, #tpu.memory_space<vmem>>
      %dma_start3A_75 = arith.constant 0 : i32
      %dma_start3A_76 = arith.constant 0 : i32
      %dma_start3A_77 = tpu.memref_slice %arg3[%dma_start3A_75, %dma_start3A_76] : memref<1000000x64xf32, #tpu.memory_space<hbm>> -> memref<1000000x64xf32, #tpu.memory_space<hbm>>
      tpu.enqueue_indirect_dma source(%dma_start3A_77 : memref<1000000x64xf32, #tpu.memory_space<hbm>>) target(%dma_start3A_71 : memref<50x64xf32, #tpu.memory_space<vmem>>) offsets(%dma_start3A_74 : memref<50xi32, #tpu.memory_space<vmem>>) semaphore(%arg9 : memref<!tpu.dma_semaphore, #tpu.memory_space<semaphore_mem>>)
      %dma_start3A_78 = arith.constant 4 : i32
      %dma_start3A_79 = arith.constant 4 : i32
      %dma_start3A_80 = arith.constant 0 : i32
      %dma_start3A_81 = arith.constant 0 : i32
      %dma_start3A_82 = tpu.memref_slice %arg7[%dma_start3A_79, %dma_start3A_80, %dma_start3A_81] : memref<16x50x64xf32, #tpu.memory_space<vmem>> -> memref<1x50x64xf32, #tpu.memory_space<vmem>>
      %dma_start3A_83 = tpu.memref_squeeze %dma_start3A_82 : memref<1x50x64xf32, #tpu.memory_space<vmem>> -> memref<50x64xf32, #tpu.memory_space<vmem>>
      %dma_start3A_84 = arith.constant 0 : i32
      %dma_start3A_85 = tpu.memref_slice %arg5[%dma_start3A_78, %dma_start3A_84] : memref<16x50xi32, #tpu.memory_space<vmem>> -> memref<1x50xi32, #tpu.memory_space<vmem>>
      %dma_start3A_86 = tpu.memref_squeeze %dma_start3A_85 : memref<1x50xi32, #tpu.memory_space<vmem>> -> memref<50xi32, #tpu.memory_space<vmem>>
      %dma_start3A_87 = arith.constant 0 : i32
      %dma_start3A_88 = arith.constant 0 : i32
      %dma_start3A_89 = tpu.memref_slice %arg3[%dma_start3A_87, %dma_start3A_88] : memref<1000000x64xf32, #tpu.memory_space<hbm>> -> memref<1000000x64xf32, #tpu.memory_space<hbm>>
      tpu.enqueue_indirect_dma source(%dma_start3A_89 : memref<1000000x64xf32, #tpu.memory_space<hbm>>) target(%dma_start3A_83 : memref<50x64xf32, #tpu.memory_space<vmem>>) offsets(%dma_start3A_86 : memref<50xi32, #tpu.memory_space<vmem>>) semaphore(%arg9 : memref<!tpu.dma_semaphore, #tpu.memory_space<semaphore_mem>>)
      %dma_start3A_90 = arith.constant 5 : i32
      %dma_start3A_91 = arith.constant 5 : i32
      %dma_start3A_92 = arith.constant 0 : i32
      %dma_start3A_93 = arith.constant 0 : i32
      %dma_start3A_94 = tpu.memref_slice %arg7[%dma_start3A_91, %dma_start3A_92, %dma_start3A_93] : memref<16x50x64xf32, #tpu.memory_space<vmem>> -> memref<1x50x64xf32, #tpu.memory_space<vmem>>
      %dma_start3A_95 = tpu.memref_squeeze %dma_start3A_94 : memref<1x50x64xf32, #tpu.memory_space<vmem>> -> memref<50x64xf32, #tpu.memory_space<vmem>>
      %dma_start3A_96 = arith.constant 0 : i32
      %dma_start3A_97 = tpu.memref_slice %arg5[%dma_start3A_90, %dma_start3A_96] : memref<16x50xi32, #tpu.memory_space<vmem>> -> memref<1x50xi32, #tpu.memory_space<vmem>>
      %dma_start3A_98 = tpu.memref_squeeze %dma_start3A_97 : memref<1x50xi32, #tpu.memory_space<vmem>> -> memref<50xi32, #tpu.memory_space<vmem>>
      %dma_start3A_99 = arith.constant 0 : i32
      %dma_start3A_100 = arith.constant 0 : i32
      %dma_start3A_101 = tpu.memref_slice %arg3[%dma_start3A_99, %dma_start3A_100] : memref<1000000x64xf32, #tpu.memory_space<hbm>> -> memref<1000000x64xf32, #tpu.memory_space<hbm>>
      tpu.enqueue_indirect_dma source(%dma_start3A_101 : memref<1000000x64xf32, #tpu.memory_space<hbm>>) target(%dma_start3A_95 : memref<50x64xf32, #tpu.memory_space<vmem>>) offsets(%dma_start3A_98 : memref<50xi32, #tpu.memory_space<vmem>>) semaphore(%arg9 : memref<!tpu.dma_semaphore, #tpu.memory_space<semaphore_mem>>)
      %dma_start3A_102 = arith.constant 6 : i32
      %dma_start3A_103 = arith.constant 6 : i32
      %dma_start3A_104 = arith.constant 0 : i32
      %dma_start3A_105 = arith.constant 0 : i32
      %dma_start3A_106 = tpu.memref_slice %arg7[%dma_start3A_103, %dma_start3A_104, %dma_start3A_105] : memref<16x50x64xf32, #tpu.memory_space<vmem>> -> memref<1x50x64xf32, #tpu.memory_space<vmem>>
      %dma_start3A_107 = tpu.memref_squeeze %dma_start3A_106 : memref<1x50x64xf32, #tpu.memory_space<vmem>> -> memref<50x64xf32, #tpu.memory_space<vmem>>
      %dma_start3A_108 = arith.constant 0 : i32
      %dma_start3A_109 = tpu.memref_slice %arg5[%dma_start3A_102, %dma_start3A_108] : memref<16x50xi32, #tpu.memory_space<vmem>> -> memref<1x50xi32, #tpu.memory_space<vmem>>
      %dma_start3A_110 = tpu.memref_squeeze %dma_start3A_109 : memref<1x50xi32, #tpu.memory_space<vmem>> -> memref<50xi32, #tpu.memory_space<vmem>>
      %dma_start3A_111 = arith.constant 0 : i32
      %dma_start3A_112 = arith.constant 0 : i32
      %dma_start3A_113 = tpu.memref_slice %arg3[%dma_start3A_111, %dma_start3A_112] : memref<1000000x64xf32, #tpu.memory_space<hbm>> -> memref<1000000x64xf32, #tpu.memory_space<hbm>>
      tpu.enqueue_indirect_dma source(%dma_start3A_113 : memref<1000000x64xf32, #tpu.memory_space<hbm>>) target(%dma_start3A_107 : memref<50x64xf32, #tpu.memory_space<vmem>>) offsets(%dma_start3A_110 : memref<50xi32, #tpu.memory_space<vmem>>) semaphore(%arg9 : memref<!tpu.dma_semaphore, #tpu.memory_space<semaphore_mem>>)
      %dma_start3A_114 = arith.constant 7 : i32
      %dma_start3A_115 = arith.constant 7 : i32
      %dma_start3A_116 = arith.constant 0 : i32
      %dma_start3A_117 = arith.constant 0 : i32
      %dma_start3A_118 = tpu.memref_slice %arg7[%dma_start3A_115, %dma_start3A_116, %dma_start3A_117] : memref<16x50x64xf32, #tpu.memory_space<vmem>> -> memref<1x50x64xf32, #tpu.memory_space<vmem>>
      %dma_start3A_119 = tpu.memref_squeeze %dma_start3A_118 : memref<1x50x64xf32, #tpu.memory_space<vmem>> -> memref<50x64xf32, #tpu.memory_space<vmem>>
      %dma_start3A_120 = arith.constant 0 : i32
      %dma_start3A_121 = tpu.memref_slice %arg5[%dma_start3A_114, %dma_start3A_120] : memref<16x50xi32, #tpu.memory_space<vmem>> -> memref<1x50xi32, #tpu.memory_space<vmem>>
      %dma_start3A_122 = tpu.memref_squeeze %dma_start3A_121 : memref<1x50xi32, #tpu.memory_space<vmem>> -> memref<50xi32, #tpu.memory_space<vmem>>
      %dma_start3A_123 = arith.constant 0 : i32
      %dma_start3A_124 = arith.constant 0 : i32
      %dma_start3A_125 = tpu.memref_slice %arg3[%dma_start3A_123, %dma_start3A_124] : memref<1000000x64xf32, #tpu.memory_space<hbm>> -> memref<1000000x64xf32, #tpu.memory_space<hbm>>
      tpu.enqueue_indirect_dma source(%dma_start3A_125 : memref<1000000x64xf32, #tpu.memory_space<hbm>>) target(%dma_start3A_119 : memref<50x64xf32, #tpu.memory_space<vmem>>) offsets(%dma_start3A_122 : memref<50xi32, #tpu.memory_space<vmem>>) semaphore(%arg9 : memref<!tpu.dma_semaphore, #tpu.memory_space<semaphore_mem>>)
      %dma_start3A_126 = arith.constant 8 : i32
      %dma_start3A_127 = arith.constant 8 : i32
      %dma_start3A_128 = arith.constant 0 : i32
      %dma_start3A_129 = arith.constant 0 : i32
      %dma_start3A_130 = tpu.memref_slice %arg7[%dma_start3A_127, %dma_start3A_128, %dma_start3A_129] : memref<16x50x64xf32, #tpu.memory_space<vmem>> -> memref<1x50x64xf32, #tpu.memory_space<vmem>>
      %dma_start3A_131 = tpu.memref_squeeze %dma_start3A_130 : memref<1x50x64xf32, #tpu.memory_space<vmem>> -> memref<50x64xf32, #tpu.memory_space<vmem>>
      %dma_start3A_132 = arith.constant 0 : i32
      %dma_start3A_133 = tpu.memref_slice %arg5[%dma_start3A_126, %dma_start3A_132] : memref<16x50xi32, #tpu.memory_space<vmem>> -> memref<1x50xi32, #tpu.memory_space<vmem>>
      %dma_start3A_134 = tpu.memref_squeeze %dma_start3A_133 : memref<1x50xi32, #tpu.memory_space<vmem>> -> memref<50xi32, #tpu.memory_space<vmem>>
      %dma_start3A_135 = arith.constant 0 : i32
      %dma_start3A_136 = arith.constant 0 : i32
      %dma_start3A_137 = tpu.memref_slice %arg3[%dma_start3A_135, %dma_start3A_136] : memref<1000000x64xf32, #tpu.memory_space<hbm>> -> memref<1000000x64xf32, #tpu.memory_space<hbm>>
      tpu.enqueue_indirect_dma source(%dma_start3A_137 : memref<1000000x64xf32, #tpu.memory_space<hbm>>) target(%dma_start3A_131 : memref<50x64xf32, #tpu.memory_space<vmem>>) offsets(%dma_start3A_134 : memref<50xi32, #tpu.memory_space<vmem>>) semaphore(%arg9 : memref<!tpu.dma_semaphore, #tpu.memory_space<semaphore_mem>>)
      %dma_start3A_138 = arith.constant 9 : i32
      %dma_start3A_139 = arith.constant 9 : i32
      %dma_start3A_140 = arith.constant 0 : i32
      %dma_start3A_141 = arith.constant 0 : i32
      %dma_start3A_142 = tpu.memref_slice %arg7[%dma_start3A_139, %dma_start3A_140, %dma_start3A_141] : memref<16x50x64xf32, #tpu.memory_space<vmem>> -> memref<1x50x64xf32, #tpu.memory_space<vmem>>
      %dma_start3A_143 = tpu.memref_squeeze %dma_start3A_142 : memref<1x50x64xf32, #tpu.memory_space<vmem>> -> memref<50x64xf32, #tpu.memory_space<vmem>>
      %dma_start3A_144 = arith.constant 0 : i32
      %dma_start3A_145 = tpu.memref_slice %arg5[%dma_start3A_138, %dma_start3A_144] : memref<16x50xi32, #tpu.memory_space<vmem>> -> memref<1x50xi32, #tpu.memory_space<vmem>>
      %dma_start3A_146 = tpu.memref_squeeze %dma_start3A_145 : memref<1x50xi32, #tpu.memory_space<vmem>> -> memref<50xi32, #tpu.memory_space<vmem>>
      %dma_start3A_147 = arith.constant 0 : i32
      %dma_start3A_148 = arith.constant 0 : i32
      %dma_start3A_149 = tpu.memref_slice %arg3[%dma_start3A_147, %dma_start3A_148] : memref<1000000x64xf32, #tpu.memory_space<hbm>> -> memref<1000000x64xf32, #tpu.memory_space<hbm>>
      tpu.enqueue_indirect_dma source(%dma_start3A_149 : memref<1000000x64xf32, #tpu.memory_space<hbm>>) target(%dma_start3A_143 : memref<50x64xf32, #tpu.memory_space<vmem>>) offsets(%dma_start3A_146 : memref<50xi32, #tpu.memory_space<vmem>>) semaphore(%arg9 : memref<!tpu.dma_semaphore, #tpu.memory_space<semaphore_mem>>)
      %dma_start3A_150 = arith.constant 10 : i32
      %dma_start3A_151 = arith.constant 10 : i32
      %dma_start3A_152 = arith.constant 0 : i32
      %dma_start3A_153 = arith.constant 0 : i32
      %dma_start3A_154 = tpu.memref_slice %arg7[%dma_start3A_151, %dma_start3A_152, %dma_start3A_153] : memref<16x50x64xf32, #tpu.memory_space<vmem>> -> memref<1x50x64xf32, #tpu.memory_space<vmem>>
      %dma_start3A_155 = tpu.memref_squeeze %dma_start3A_154 : memref<1x50x64xf32, #tpu.memory_space<vmem>> -> memref<50x64xf32, #tpu.memory_space<vmem>>
      %dma_start3A_156 = arith.constant 0 : i32
      %dma_start3A_157 = tpu.memref_slice %arg5[%dma_start3A_150, %dma_start3A_156] : memref<16x50xi32, #tpu.memory_space<vmem>> -> memref<1x50xi32, #tpu.memory_space<vmem>>
      %dma_start3A_158 = tpu.memref_squeeze %dma_start3A_157 : memref<1x50xi32, #tpu.memory_space<vmem>> -> memref<50xi32, #tpu.memory_space<vmem>>
      %dma_start3A_159 = arith.constant 0 : i32
      %dma_start3A_160 = arith.constant 0 : i32
      %dma_start3A_161 = tpu.memref_slice %arg3[%dma_start3A_159, %dma_start3A_160] : memref<1000000x64xf32, #tpu.memory_space<hbm>> -> memref<1000000x64xf32, #tpu.memory_space<hbm>>
      tpu.enqueue_indirect_dma source(%dma_start3A_161 : memref<1000000x64xf32, #tpu.memory_space<hbm>>) target(%dma_start3A_155 : memref<50x64xf32, #tpu.memory_space<vmem>>) offsets(%dma_start3A_158 : memref<50xi32, #tpu.memory_space<vmem>>) semaphore(%arg9 : memref<!tpu.dma_semaphore, #tpu.memory_space<semaphore_mem>>)
      %dma_start3A_162 = arith.constant 11 : i32
      %dma_start3A_163 = arith.constant 11 : i32
      %dma_start3A_164 = arith.constant 0 : i32
      %dma_start3A_165 = arith.constant 0 : i32
      %dma_start3A_166 = tpu.memref_slice %arg7[%dma_start3A_163, %dma_start3A_164, %dma_start3A_165] : memref<16x50x64xf32, #tpu.memory_space<vmem>> -> memref<1x50x64xf32, #tpu.memory_space<vmem>>
      %dma_start3A_167 = tpu.memref_squeeze %dma_start3A_166 : memref<1x50x64xf32, #tpu.memory_space<vmem>> -> memref<50x64xf32, #tpu.memory_space<vmem>>
      %dma_start3A_168 = arith.constant 0 : i32
      %dma_start3A_169 = tpu.memref_slice %arg5[%dma_start3A_162, %dma_start3A_168] : memref<16x50xi32, #tpu.memory_space<vmem>> -> memref<1x50xi32, #tpu.memory_space<vmem>>
      %dma_start3A_170 = tpu.memref_squeeze %dma_start3A_169 : memref<1x50xi32, #tpu.memory_space<vmem>> -> memref<50xi32, #tpu.memory_space<vmem>>
      %dma_start3A_171 = arith.constant 0 : i32
      %dma_start3A_172 = arith.constant 0 : i32
      %dma_start3A_173 = tpu.memref_slice %arg3[%dma_start3A_171, %dma_start3A_172] : memref<1000000x64xf32, #tpu.memory_space<hbm>> -> memref<1000000x64xf32, #tpu.memory_space<hbm>>
      tpu.enqueue_indirect_dma source(%dma_start3A_173 : memref<1000000x64xf32, #tpu.memory_space<hbm>>) target(%dma_start3A_167 : memref<50x64xf32, #tpu.memory_space<vmem>>) offsets(%dma_start3A_170 : memref<50xi32, #tpu.memory_space<vmem>>) semaphore(%arg9 : memref<!tpu.dma_semaphore, #tpu.memory_space<semaphore_mem>>)
      %dma_start3A_174 = arith.constant 12 : i32
      %dma_start3A_175 = arith.constant 12 : i32
      %dma_start3A_176 = arith.constant 0 : i32
      %dma_start3A_177 = arith.constant 0 : i32
      %dma_start3A_178 = tpu.memref_slice %arg7[%dma_start3A_175, %dma_start3A_176, %dma_start3A_177] : memref<16x50x64xf32, #tpu.memory_space<vmem>> -> memref<1x50x64xf32, #tpu.memory_space<vmem>>
      %dma_start3A_179 = tpu.memref_squeeze %dma_start3A_178 : memref<1x50x64xf32, #tpu.memory_space<vmem>> -> memref<50x64xf32, #tpu.memory_space<vmem>>
      %dma_start3A_180 = arith.constant 0 : i32
      %dma_start3A_181 = tpu.memref_slice %arg5[%dma_start3A_174, %dma_start3A_180] : memref<16x50xi32, #tpu.memory_space<vmem>> -> memref<1x50xi32, #tpu.memory_space<vmem>>
      %dma_start3A_182 = tpu.memref_squeeze %dma_start3A_181 : memref<1x50xi32, #tpu.memory_space<vmem>> -> memref<50xi32, #tpu.memory_space<vmem>>
      %dma_start3A_183 = arith.constant 0 : i32
      %dma_start3A_184 = arith.constant 0 : i32
      %dma_start3A_185 = tpu.memref_slice %arg3[%dma_start3A_183, %dma_start3A_184] : memref<1000000x64xf32, #tpu.memory_space<hbm>> -> memref<1000000x64xf32, #tpu.memory_space<hbm>>
      tpu.enqueue_indirect_dma source(%dma_start3A_185 : memref<1000000x64xf32, #tpu.memory_space<hbm>>) target(%dma_start3A_179 : memref<50x64xf32, #tpu.memory_space<vmem>>) offsets(%dma_start3A_182 : memref<50xi32, #tpu.memory_space<vmem>>) semaphore(%arg9 : memref<!tpu.dma_semaphore, #tpu.memory_space<semaphore_mem>>)
      %dma_start3A_186 = arith.constant 13 : i32
      %dma_start3A_187 = arith.constant 13 : i32
      %dma_start3A_188 = arith.constant 0 : i32
      %dma_start3A_189 = arith.constant 0 : i32
      %dma_start3A_190 = tpu.memref_slice %arg7[%dma_start3A_187, %dma_start3A_188, %dma_start3A_189] : memref<16x50x64xf32, #tpu.memory_space<vmem>> -> memref<1x50x64xf32, #tpu.memory_space<vmem>>
      %dma_start3A_191 = tpu.memref_squeeze %dma_start3A_190 : memref<1x50x64xf32, #tpu.memory_space<vmem>> -> memref<50x64xf32, #tpu.memory_space<vmem>>
      %dma_start3A_192 = arith.constant 0 : i32
      %dma_start3A_193 = tpu.memref_slice %arg5[%dma_start3A_186, %dma_start3A_192] : memref<16x50xi32, #tpu.memory_space<vmem>> -> memref<1x50xi32, #tpu.memory_space<vmem>>
      %dma_start3A_194 = tpu.memref_squeeze %dma_start3A_193 : memref<1x50xi32, #tpu.memory_space<vmem>> -> memref<50xi32, #tpu.memory_space<vmem>>
      %dma_start3A_195 = arith.constant 0 : i32
      %dma_start3A_196 = arith.constant 0 : i32
      %dma_start3A_197 = tpu.memref_slice %arg3[%dma_start3A_195, %dma_start3A_196] : memref<1000000x64xf32, #tpu.memory_space<hbm>> -> memref<1000000x64xf32, #tpu.memory_space<hbm>>
      tpu.enqueue_indirect_dma source(%dma_start3A_197 : memref<1000000x64xf32, #tpu.memory_space<hbm>>) target(%dma_start3A_191 : memref<50x64xf32, #tpu.memory_space<vmem>>) offsets(%dma_start3A_194 : memref<50xi32, #tpu.memory_space<vmem>>) semaphore(%arg9 : memref<!tpu.dma_semaphore, #tpu.memory_space<semaphore_mem>>)
      %dma_start3A_198 = arith.constant 14 : i32
      %dma_start3A_199 = arith.constant 14 : i32
      %dma_start3A_200 = arith.constant 0 : i32
      %dma_start3A_201 = arith.constant 0 : i32
      %dma_start3A_202 = tpu.memref_slice %arg7[%dma_start3A_199, %dma_start3A_200, %dma_start3A_201] : memref<16x50x64xf32, #tpu.memory_space<vmem>> -> memref<1x50x64xf32, #tpu.memory_space<vmem>>
      %dma_start3A_203 = tpu.memref_squeeze %dma_start3A_202 : memref<1x50x64xf32, #tpu.memory_space<vmem>> -> memref<50x64xf32, #tpu.memory_space<vmem>>
      %dma_start3A_204 = arith.constant 0 : i32
      %dma_start3A_205 = tpu.memref_slice %arg5[%dma_start3A_198, %dma_start3A_204] : memref<16x50xi32, #tpu.memory_space<vmem>> -> memref<1x50xi32, #tpu.memory_space<vmem>>
      %dma_start3A_206 = tpu.memref_squeeze %dma_start3A_205 : memref<1x50xi32, #tpu.memory_space<vmem>> -> memref<50xi32, #tpu.memory_space<vmem>>
      %dma_start3A_207 = arith.constant 0 : i32
      %dma_start3A_208 = arith.constant 0 : i32
      %dma_start3A_209 = tpu.memref_slice %arg3[%dma_start3A_207, %dma_start3A_208] : memref<1000000x64xf32, #tpu.memory_space<hbm>> -> memref<1000000x64xf32, #tpu.memory_space<hbm>>
      tpu.enqueue_indirect_dma source(%dma_start3A_209 : memref<1000000x64xf32, #tpu.memory_space<hbm>>) target(%dma_start3A_203 : memref<50x64xf32, #tpu.memory_space<vmem>>) offsets(%dma_start3A_206 : memref<50xi32, #tpu.memory_space<vmem>>) semaphore(%arg9 : memref<!tpu.dma_semaphore, #tpu.memory_space<semaphore_mem>>)
      %dma_start3A_210 = arith.constant 15 : i32
      %dma_start3A_211 = arith.constant 15 : i32
      %dma_start3A_212 = arith.constant 0 : i32
      %dma_start3A_213 = arith.constant 0 : i32
      %dma_start3A_214 = tpu.memref_slice %arg7[%dma_start3A_211, %dma_start3A_212, %dma_start3A_213] : memref<16x50x64xf32, #tpu.memory_space<vmem>> -> memref<1x50x64xf32, #tpu.memory_space<vmem>>
      %dma_start3A_215 = tpu.memref_squeeze %dma_start3A_214 : memref<1x50x64xf32, #tpu.memory_space<vmem>> -> memref<50x64xf32, #tpu.memory_space<vmem>>
      %dma_start3A_216 = arith.constant 0 : i32
      %dma_start3A_217 = tpu.memref_slice %arg5[%dma_start3A_210, %dma_start3A_216] : memref<16x50xi32, #tpu.memory_space<vmem>> -> memref<1x50xi32, #tpu.memory_space<vmem>>
      %dma_start3A_218 = tpu.memref_squeeze %dma_start3A_217 : memref<1x50xi32, #tpu.memory_space<vmem>> -> memref<50xi32, #tpu.memory_space<vmem>>
      %dma_start3A_219 = arith.constant 0 : i32
      %dma_start3A_220 = arith.constant 0 : i32
      %dma_start3A_221 = tpu.memref_slice %arg3[%dma_start3A_219, %dma_start3A_220] : memref<1000000x64xf32, #tpu.memory_space<hbm>> -> memref<1000000x64xf32, #tpu.memory_space<hbm>>
      tpu.enqueue_indirect_dma source(%dma_start3A_221 : memref<1000000x64xf32, #tpu.memory_space<hbm>>) target(%dma_start3A_215 : memref<50x64xf32, #tpu.memory_space<vmem>>) offsets(%dma_start3A_218 : memref<50xi32, #tpu.memory_space<vmem>>) semaphore(%arg9 : memref<!tpu.dma_semaphore, #tpu.memory_space<semaphore_mem>>)
      %dma_wait3A_222 = arith.constant 0 : i32
      %dma_wait3A_223 = arith.constant 0 : i32
      %dma_wait3A_224 = arith.constant 0 : i32
      %dma_wait3A_225 = arith.constant 0 : i32
      %dma_wait3A_226 = tpu.memref_slice %arg7[%dma_wait3A_223, %dma_wait3A_224, %dma_wait3A_225] : memref<16x50x64xf32, #tpu.memory_space<vmem>> -> memref<1x50x64xf32, #tpu.memory_space<vmem>>
      %dma_wait3A_227 = tpu.memref_squeeze %dma_wait3A_226 : memref<1x50x64xf32, #tpu.memory_space<vmem>> -> memref<50x64xf32, #tpu.memory_space<vmem>>
      %dma_wait3A_228 = arith.constant 0 : i32
      %dma_wait3A_229 = tpu.memref_slice %arg5[%dma_wait3A_222, %dma_wait3A_228] : memref<16x50xi32, #tpu.memory_space<vmem>> -> memref<1x50xi32, #tpu.memory_space<vmem>>
      %dma_wait3A_230 = tpu.memref_squeeze %dma_wait3A_229 : memref<1x50xi32, #tpu.memory_space<vmem>> -> memref<50xi32, #tpu.memory_space<vmem>>
      %dma_wait3A_231 = arith.constant 0 : i32
      %dma_wait3A_232 = arith.constant 0 : i32
      %dma_wait3A_233 = tpu.memref_slice %arg3[%dma_wait3A_231, %dma_wait3A_232] : memref<1000000x64xf32, #tpu.memory_space<hbm>> -> memref<1000000x64xf32, #tpu.memory_space<hbm>>
      tpu.wait_indirect_dma semaphore(%arg9 : memref<!tpu.dma_semaphore, #tpu.memory_space<semaphore_mem>>) src(%dma_wait3A_233 : memref<1000000x64xf32, #tpu.memory_space<hbm>>) dst(%dma_wait3A_227 : memref<50x64xf32, #tpu.memory_space<vmem>>)
      %dma_wait3A_234 = arith.constant 1 : i32
      %dma_wait3A_235 = arith.constant 1 : i32
      %dma_wait3A_236 = arith.constant 0 : i32
      %dma_wait3A_237 = arith.constant 0 : i32
      %dma_wait3A_238 = tpu.memref_slice %arg7[%dma_wait3A_235, %dma_wait3A_236, %dma_wait3A_237] : memref<16x50x64xf32, #tpu.memory_space<vmem>> -> memref<1x50x64xf32, #tpu.memory_space<vmem>>
      %dma_wait3A_239 = tpu.memref_squeeze %dma_wait3A_238 : memref<1x50x64xf32, #tpu.memory_space<vmem>> -> memref<50x64xf32, #tpu.memory_space<vmem>>
      %dma_wait3A_240 = arith.constant 0 : i32
      %dma_wait3A_241 = tpu.memref_slice %arg5[%dma_wait3A_234, %dma_wait3A_240] : memref<16x50xi32, #tpu.memory_space<vmem>> -> memref<1x50xi32, #tpu.memory_space<vmem>>
      %dma_wait3A_242 = tpu.memref_squeeze %dma_wait3A_241 : memref<1x50xi32, #tpu.memory_space<vmem>> -> memref<50xi32, #tpu.memory_space<vmem>>
      %dma_wait3A_243 = arith.constant 0 : i32
      %dma_wait3A_244 = arith.constant 0 : i32
      %dma_wait3A_245 = tpu.memref_slice %arg3[%dma_wait3A_243, %dma_wait3A_244] : memref<1000000x64xf32, #tpu.memory_space<hbm>> -> memref<1000000x64xf32, #tpu.memory_space<hbm>>
      tpu.wait_indirect_dma semaphore(%arg9 : memref<!tpu.dma_semaphore, #tpu.memory_space<semaphore_mem>>) src(%dma_wait3A_245 : memref<1000000x64xf32, #tpu.memory_space<hbm>>) dst(%dma_wait3A_239 : memref<50x64xf32, #tpu.memory_space<vmem>>)
      %dma_wait3A_246 = arith.constant 2 : i32
      %dma_wait3A_247 = arith.constant 2 : i32
      %dma_wait3A_248 = arith.constant 0 : i32
      %dma_wait3A_249 = arith.constant 0 : i32
      %dma_wait3A_250 = tpu.memref_slice %arg7[%dma_wait3A_247, %dma_wait3A_248, %dma_wait3A_249] : memref<16x50x64xf32, #tpu.memory_space<vmem>> -> memref<1x50x64xf32, #tpu.memory_space<vmem>>
      %dma_wait3A_251 = tpu.memref_squeeze %dma_wait3A_250 : memref<1x50x64xf32, #tpu.memory_space<vmem>> -> memref<50x64xf32, #tpu.memory_space<vmem>>
      %dma_wait3A_252 = arith.constant 0 : i32
      %dma_wait3A_253 = tpu.memref_slice %arg5[%dma_wait3A_246, %dma_wait3A_252] : memref<16x50xi32, #tpu.memory_space<vmem>> -> memref<1x50xi32, #tpu.memory_space<vmem>>
      %dma_wait3A_254 = tpu.memref_squeeze %dma_wait3A_253 : memref<1x50xi32, #tpu.memory_space<vmem>> -> memref<50xi32, #tpu.memory_space<vmem>>
      %dma_wait3A_255 = arith.constant 0 : i32
      %dma_wait3A_256 = arith.constant 0 : i32
      %dma_wait3A_257 = tpu.memref_slice %arg3[%dma_wait3A_255, %dma_wait3A_256] : memref<1000000x64xf32, #tpu.memory_space<hbm>> -> memref<1000000x64xf32, #tpu.memory_space<hbm>>
      tpu.wait_indirect_dma semaphore(%arg9 : memref<!tpu.dma_semaphore, #tpu.memory_space<semaphore_mem>>) src(%dma_wait3A_257 : memref<1000000x64xf32, #tpu.memory_space<hbm>>) dst(%dma_wait3A_251 : memref<50x64xf32, #tpu.memory_space<vmem>>)
      %dma_wait3A_258 = arith.constant 3 : i32
      %dma_wait3A_259 = arith.constant 3 : i32
      %dma_wait3A_260 = arith.constant 0 : i32
      %dma_wait3A_261 = arith.constant 0 : i32
      %dma_wait3A_262 = tpu.memref_slice %arg7[%dma_wait3A_259, %dma_wait3A_260, %dma_wait3A_261] : memref<16x50x64xf32, #tpu.memory_space<vmem>> -> memref<1x50x64xf32, #tpu.memory_space<vmem>>
      %dma_wait3A_263 = tpu.memref_squeeze %dma_wait3A_262 : memref<1x50x64xf32, #tpu.memory_space<vmem>> -> memref<50x64xf32, #tpu.memory_space<vmem>>
      %dma_wait3A_264 = arith.constant 0 : i32
      %dma_wait3A_265 = tpu.memref_slice %arg5[%dma_wait3A_258, %dma_wait3A_264] : memref<16x50xi32, #tpu.memory_space<vmem>> -> memref<1x50xi32, #tpu.memory_space<vmem>>
      %dma_wait3A_266 = tpu.memref_squeeze %dma_wait3A_265 : memref<1x50xi32, #tpu.memory_space<vmem>> -> memref<50xi32, #tpu.memory_space<vmem>>
      %dma_wait3A_267 = arith.constant 0 : i32
      %dma_wait3A_268 = arith.constant 0 : i32
      %dma_wait3A_269 = tpu.memref_slice %arg3[%dma_wait3A_267, %dma_wait3A_268] : memref<1000000x64xf32, #tpu.memory_space<hbm>> -> memref<1000000x64xf32, #tpu.memory_space<hbm>>
      tpu.wait_indirect_dma semaphore(%arg9 : memref<!tpu.dma_semaphore, #tpu.memory_space<semaphore_mem>>) src(%dma_wait3A_269 : memref<1000000x64xf32, #tpu.memory_space<hbm>>) dst(%dma_wait3A_263 : memref<50x64xf32, #tpu.memory_space<vmem>>)
      %dma_wait3A_270 = arith.constant 4 : i32
      %dma_wait3A_271 = arith.constant 4 : i32
      %dma_wait3A_272 = arith.constant 0 : i32
      %dma_wait3A_273 = arith.constant 0 : i32
      %dma_wait3A_274 = tpu.memref_slice %arg7[%dma_wait3A_271, %dma_wait3A_272, %dma_wait3A_273] : memref<16x50x64xf32, #tpu.memory_space<vmem>> -> memref<1x50x64xf32, #tpu.memory_space<vmem>>
      %dma_wait3A_275 = tpu.memref_squeeze %dma_wait3A_274 : memref<1x50x64xf32, #tpu.memory_space<vmem>> -> memref<50x64xf32, #tpu.memory_space<vmem>>
      %dma_wait3A_276 = arith.constant 0 : i32
      %dma_wait3A_277 = tpu.memref_slice %arg5[%dma_wait3A_270, %dma_wait3A_276] : memref<16x50xi32, #tpu.memory_space<vmem>> -> memref<1x50xi32, #tpu.memory_space<vmem>>
      %dma_wait3A_278 = tpu.memref_squeeze %dma_wait3A_277 : memref<1x50xi32, #tpu.memory_space<vmem>> -> memref<50xi32, #tpu.memory_space<vmem>>
      %dma_wait3A_279 = arith.constant 0 : i32
      %dma_wait3A_280 = arith.constant 0 : i32
      %dma_wait3A_281 = tpu.memref_slice %arg3[%dma_wait3A_279, %dma_wait3A_280] : memref<1000000x64xf32, #tpu.memory_space<hbm>> -> memref<1000000x64xf32, #tpu.memory_space<hbm>>
      tpu.wait_indirect_dma semaphore(%arg9 : memref<!tpu.dma_semaphore, #tpu.memory_space<semaphore_mem>>) src(%dma_wait3A_281 : memref<1000000x64xf32, #tpu.memory_space<hbm>>) dst(%dma_wait3A_275 : memref<50x64xf32, #tpu.memory_space<vmem>>)
      %dma_wait3A_282 = arith.constant 5 : i32
      %dma_wait3A_283 = arith.constant 5 : i32
      %dma_wait3A_284 = arith.constant 0 : i32
      %dma_wait3A_285 = arith.constant 0 : i32
      %dma_wait3A_286 = tpu.memref_slice %arg7[%dma_wait3A_283, %dma_wait3A_284, %dma_wait3A_285] : memref<16x50x64xf32, #tpu.memory_space<vmem>> -> memref<1x50x64xf32, #tpu.memory_space<vmem>>
      %dma_wait3A_287 = tpu.memref_squeeze %dma_wait3A_286 : memref<1x50x64xf32, #tpu.memory_space<vmem>> -> memref<50x64xf32, #tpu.memory_space<vmem>>
      %dma_wait3A_288 = arith.constant 0 : i32
      %dma_wait3A_289 = tpu.memref_slice %arg5[%dma_wait3A_282, %dma_wait3A_288] : memref<16x50xi32, #tpu.memory_space<vmem>> -> memref<1x50xi32, #tpu.memory_space<vmem>>
      %dma_wait3A_290 = tpu.memref_squeeze %dma_wait3A_289 : memref<1x50xi32, #tpu.memory_space<vmem>> -> memref<50xi32, #tpu.memory_space<vmem>>
      %dma_wait3A_291 = arith.constant 0 : i32
      %dma_wait3A_292 = arith.constant 0 : i32
      %dma_wait3A_293 = tpu.memref_slice %arg3[%dma_wait3A_291, %dma_wait3A_292] : memref<1000000x64xf32, #tpu.memory_space<hbm>> -> memref<1000000x64xf32, #tpu.memory_space<hbm>>
      tpu.wait_indirect_dma semaphore(%arg9 : memref<!tpu.dma_semaphore, #tpu.memory_space<semaphore_mem>>) src(%dma_wait3A_293 : memref<1000000x64xf32, #tpu.memory_space<hbm>>) dst(%dma_wait3A_287 : memref<50x64xf32, #tpu.memory_space<vmem>>)
      %dma_wait3A_294 = arith.constant 6 : i32
      %dma_wait3A_295 = arith.constant 6 : i32
      %dma_wait3A_296 = arith.constant 0 : i32
      %dma_wait3A_297 = arith.constant 0 : i32
      %dma_wait3A_298 = tpu.memref_slice %arg7[%dma_wait3A_295, %dma_wait3A_296, %dma_wait3A_297] : memref<16x50x64xf32, #tpu.memory_space<vmem>> -> memref<1x50x64xf32, #tpu.memory_space<vmem>>
      %dma_wait3A_299 = tpu.memref_squeeze %dma_wait3A_298 : memref<1x50x64xf32, #tpu.memory_space<vmem>> -> memref<50x64xf32, #tpu.memory_space<vmem>>
      %dma_wait3A_300 = arith.constant 0 : i32
      %dma_wait3A_301 = tpu.memref_slice %arg5[%dma_wait3A_294, %dma_wait3A_300] : memref<16x50xi32, #tpu.memory_space<vmem>> -> memref<1x50xi32, #tpu.memory_space<vmem>>
      %dma_wait3A_302 = tpu.memref_squeeze %dma_wait3A_301 : memref<1x50xi32, #tpu.memory_space<vmem>> -> memref<50xi32, #tpu.memory_space<vmem>>
      %dma_wait3A_303 = arith.constant 0 : i32
      %dma_wait3A_304 = arith.constant 0 : i32
      %dma_wait3A_305 = tpu.memref_slice %arg3[%dma_wait3A_303, %dma_wait3A_304] : memref<1000000x64xf32, #tpu.memory_space<hbm>> -> memref<1000000x64xf32, #tpu.memory_space<hbm>>
      tpu.wait_indirect_dma semaphore(%arg9 : memref<!tpu.dma_semaphore, #tpu.memory_space<semaphore_mem>>) src(%dma_wait3A_305 : memref<1000000x64xf32, #tpu.memory_space<hbm>>) dst(%dma_wait3A_299 : memref<50x64xf32, #tpu.memory_space<vmem>>)
      %dma_wait3A_306 = arith.constant 7 : i32
      %dma_wait3A_307 = arith.constant 7 : i32
      %dma_wait3A_308 = arith.constant 0 : i32
      %dma_wait3A_309 = arith.constant 0 : i32
      %dma_wait3A_310 = tpu.memref_slice %arg7[%dma_wait3A_307, %dma_wait3A_308, %dma_wait3A_309] : memref<16x50x64xf32, #tpu.memory_space<vmem>> -> memref<1x50x64xf32, #tpu.memory_space<vmem>>
      %dma_wait3A_311 = tpu.memref_squeeze %dma_wait3A_310 : memref<1x50x64xf32, #tpu.memory_space<vmem>> -> memref<50x64xf32, #tpu.memory_space<vmem>>
      %dma_wait3A_312 = arith.constant 0 : i32
      %dma_wait3A_313 = tpu.memref_slice %arg5[%dma_wait3A_306, %dma_wait3A_312] : memref<16x50xi32, #tpu.memory_space<vmem>> -> memref<1x50xi32, #tpu.memory_space<vmem>>
      %dma_wait3A_314 = tpu.memref_squeeze %dma_wait3A_313 : memref<1x50xi32, #tpu.memory_space<vmem>> -> memref<50xi32, #tpu.memory_space<vmem>>
      %dma_wait3A_315 = arith.constant 0 : i32
      %dma_wait3A_316 = arith.constant 0 : i32
      %dma_wait3A_317 = tpu.memref_slice %arg3[%dma_wait3A_315, %dma_wait3A_316] : memref<1000000x64xf32, #tpu.memory_space<hbm>> -> memref<1000000x64xf32, #tpu.memory_space<hbm>>
      tpu.wait_indirect_dma semaphore(%arg9 : memref<!tpu.dma_semaphore, #tpu.memory_space<semaphore_mem>>) src(%dma_wait3A_317 : memref<1000000x64xf32, #tpu.memory_space<hbm>>) dst(%dma_wait3A_311 : memref<50x64xf32, #tpu.memory_space<vmem>>)
      %dma_wait3A_318 = arith.constant 8 : i32
      %dma_wait3A_319 = arith.constant 8 : i32
      %dma_wait3A_320 = arith.constant 0 : i32
      %dma_wait3A_321 = arith.constant 0 : i32
      %dma_wait3A_322 = tpu.memref_slice %arg7[%dma_wait3A_319, %dma_wait3A_320, %dma_wait3A_321] : memref<16x50x64xf32, #tpu.memory_space<vmem>> -> memref<1x50x64xf32, #tpu.memory_space<vmem>>
      %dma_wait3A_323 = tpu.memref_squeeze %dma_wait3A_322 : memref<1x50x64xf32, #tpu.memory_space<vmem>> -> memref<50x64xf32, #tpu.memory_space<vmem>>
      %dma_wait3A_324 = arith.constant 0 : i32
      %dma_wait3A_325 = tpu.memref_slice %arg5[%dma_wait3A_318, %dma_wait3A_324] : memref<16x50xi32, #tpu.memory_space<vmem>> -> memref<1x50xi32, #tpu.memory_space<vmem>>
      %dma_wait3A_326 = tpu.memref_squeeze %dma_wait3A_325 : memref<1x50xi32, #tpu.memory_space<vmem>> -> memref<50xi32, #tpu.memory_space<vmem>>
      %dma_wait3A_327 = arith.constant 0 : i32
      %dma_wait3A_328 = arith.constant 0 : i32
      %dma_wait3A_329 = tpu.memref_slice %arg3[%dma_wait3A_327, %dma_wait3A_328] : memref<1000000x64xf32, #tpu.memory_space<hbm>> -> memref<1000000x64xf32, #tpu.memory_space<hbm>>
      tpu.wait_indirect_dma semaphore(%arg9 : memref<!tpu.dma_semaphore, #tpu.memory_space<semaphore_mem>>) src(%dma_wait3A_329 : memref<1000000x64xf32, #tpu.memory_space<hbm>>) dst(%dma_wait3A_323 : memref<50x64xf32, #tpu.memory_space<vmem>>)
      %dma_wait3A_330 = arith.constant 9 : i32
      %dma_wait3A_331 = arith.constant 9 : i32
      %dma_wait3A_332 = arith.constant 0 : i32
      %dma_wait3A_333 = arith.constant 0 : i32
      %dma_wait3A_334 = tpu.memref_slice %arg7[%dma_wait3A_331, %dma_wait3A_332, %dma_wait3A_333] : memref<16x50x64xf32, #tpu.memory_space<vmem>> -> memref<1x50x64xf32, #tpu.memory_space<vmem>>
      %dma_wait3A_335 = tpu.memref_squeeze %dma_wait3A_334 : memref<1x50x64xf32, #tpu.memory_space<vmem>> -> memref<50x64xf32, #tpu.memory_space<vmem>>
      %dma_wait3A_336 = arith.constant 0 : i32
      %dma_wait3A_337 = tpu.memref_slice %arg5[%dma_wait3A_330, %dma_wait3A_336] : memref<16x50xi32, #tpu.memory_space<vmem>> -> memref<1x50xi32, #tpu.memory_space<vmem>>
      %dma_wait3A_338 = tpu.memref_squeeze %dma_wait3A_337 : memref<1x50xi32, #tpu.memory_space<vmem>> -> memref<50xi32, #tpu.memory_space<vmem>>
      %dma_wait3A_339 = arith.constant 0 : i32
      %dma_wait3A_340 = arith.constant 0 : i32
      %dma_wait3A_341 = tpu.memref_slice %arg3[%dma_wait3A_339, %dma_wait3A_340] : memref<1000000x64xf32, #tpu.memory_space<hbm>> -> memref<1000000x64xf32, #tpu.memory_space<hbm>>
      tpu.wait_indirect_dma semaphore(%arg9 : memref<!tpu.dma_semaphore, #tpu.memory_space<semaphore_mem>>) src(%dma_wait3A_341 : memref<1000000x64xf32, #tpu.memory_space<hbm>>) dst(%dma_wait3A_335 : memref<50x64xf32, #tpu.memory_space<vmem>>)
      %dma_wait3A_342 = arith.constant 10 : i32
      %dma_wait3A_343 = arith.constant 10 : i32
      %dma_wait3A_344 = arith.constant 0 : i32
      %dma_wait3A_345 = arith.constant 0 : i32
      %dma_wait3A_346 = tpu.memref_slice %arg7[%dma_wait3A_343, %dma_wait3A_344, %dma_wait3A_345] : memref<16x50x64xf32, #tpu.memory_space<vmem>> -> memref<1x50x64xf32, #tpu.memory_space<vmem>>
      %dma_wait3A_347 = tpu.memref_squeeze %dma_wait3A_346 : memref<1x50x64xf32, #tpu.memory_space<vmem>> -> memref<50x64xf32, #tpu.memory_space<vmem>>
      %dma_wait3A_348 = arith.constant 0 : i32
      %dma_wait3A_349 = tpu.memref_slice %arg5[%dma_wait3A_342, %dma_wait3A_348] : memref<16x50xi32, #tpu.memory_space<vmem>> -> memref<1x50xi32, #tpu.memory_space<vmem>>
      %dma_wait3A_350 = tpu.memref_squeeze %dma_wait3A_349 : memref<1x50xi32, #tpu.memory_space<vmem>> -> memref<50xi32, #tpu.memory_space<vmem>>
      %dma_wait3A_351 = arith.constant 0 : i32
      %dma_wait3A_352 = arith.constant 0 : i32
      %dma_wait3A_353 = tpu.memref_slice %arg3[%dma_wait3A_351, %dma_wait3A_352] : memref<1000000x64xf32, #tpu.memory_space<hbm>> -> memref<1000000x64xf32, #tpu.memory_space<hbm>>
      tpu.wait_indirect_dma semaphore(%arg9 : memref<!tpu.dma_semaphore, #tpu.memory_space<semaphore_mem>>) src(%dma_wait3A_353 : memref<1000000x64xf32, #tpu.memory_space<hbm>>) dst(%dma_wait3A_347 : memref<50x64xf32, #tpu.memory_space<vmem>>)
      %dma_wait3A_354 = arith.constant 11 : i32
      %dma_wait3A_355 = arith.constant 11 : i32
      %dma_wait3A_356 = arith.constant 0 : i32
      %dma_wait3A_357 = arith.constant 0 : i32
      %dma_wait3A_358 = tpu.memref_slice %arg7[%dma_wait3A_355, %dma_wait3A_356, %dma_wait3A_357] : memref<16x50x64xf32, #tpu.memory_space<vmem>> -> memref<1x50x64xf32, #tpu.memory_space<vmem>>
      %dma_wait3A_359 = tpu.memref_squeeze %dma_wait3A_358 : memref<1x50x64xf32, #tpu.memory_space<vmem>> -> memref<50x64xf32, #tpu.memory_space<vmem>>
      %dma_wait3A_360 = arith.constant 0 : i32
      %dma_wait3A_361 = tpu.memref_slice %arg5[%dma_wait3A_354, %dma_wait3A_360] : memref<16x50xi32, #tpu.memory_space<vmem>> -> memref<1x50xi32, #tpu.memory_space<vmem>>
      %dma_wait3A_362 = tpu.memref_squeeze %dma_wait3A_361 : memref<1x50xi32, #tpu.memory_space<vmem>> -> memref<50xi32, #tpu.memory_space<vmem>>
      %dma_wait3A_363 = arith.constant 0 : i32
      %dma_wait3A_364 = arith.constant 0 : i32
      %dma_wait3A_365 = tpu.memref_slice %arg3[%dma_wait3A_363, %dma_wait3A_364] : memref<1000000x64xf32, #tpu.memory_space<hbm>> -> memref<1000000x64xf32, #tpu.memory_space<hbm>>
      tpu.wait_indirect_dma semaphore(%arg9 : memref<!tpu.dma_semaphore, #tpu.memory_space<semaphore_mem>>) src(%dma_wait3A_365 : memref<1000000x64xf32, #tpu.memory_space<hbm>>) dst(%dma_wait3A_359 : memref<50x64xf32, #tpu.memory_space<vmem>>)
      %dma_wait3A_366 = arith.constant 12 : i32
      %dma_wait3A_367 = arith.constant 12 : i32
      %dma_wait3A_368 = arith.constant 0 : i32
      %dma_wait3A_369 = arith.constant 0 : i32
      %dma_wait3A_370 = tpu.memref_slice %arg7[%dma_wait3A_367, %dma_wait3A_368, %dma_wait3A_369] : memref<16x50x64xf32, #tpu.memory_space<vmem>> -> memref<1x50x64xf32, #tpu.memory_space<vmem>>
      %dma_wait3A_371 = tpu.memref_squeeze %dma_wait3A_370 : memref<1x50x64xf32, #tpu.memory_space<vmem>> -> memref<50x64xf32, #tpu.memory_space<vmem>>
      %dma_wait3A_372 = arith.constant 0 : i32
      %dma_wait3A_373 = tpu.memref_slice %arg5[%dma_wait3A_366, %dma_wait3A_372] : memref<16x50xi32, #tpu.memory_space<vmem>> -> memref<1x50xi32, #tpu.memory_space<vmem>>
      %dma_wait3A_374 = tpu.memref_squeeze %dma_wait3A_373 : memref<1x50xi32, #tpu.memory_space<vmem>> -> memref<50xi32, #tpu.memory_space<vmem>>
      %dma_wait3A_375 = arith.constant 0 : i32
      %dma_wait3A_376 = arith.constant 0 : i32
      %dma_wait3A_377 = tpu.memref_slice %arg3[%dma_wait3A_375, %dma_wait3A_376] : memref<1000000x64xf32, #tpu.memory_space<hbm>> -> memref<1000000x64xf32, #tpu.memory_space<hbm>>
      tpu.wait_indirect_dma semaphore(%arg9 : memref<!tpu.dma_semaphore, #tpu.memory_space<semaphore_mem>>) src(%dma_wait3A_377 : memref<1000000x64xf32, #tpu.memory_space<hbm>>) dst(%dma_wait3A_371 : memref<50x64xf32, #tpu.memory_space<vmem>>)
      %dma_wait3A_378 = arith.constant 13 : i32
      %dma_wait3A_379 = arith.constant 13 : i32
      %dma_wait3A_380 = arith.constant 0 : i32
      %dma_wait3A_381 = arith.constant 0 : i32
      %dma_wait3A_382 = tpu.memref_slice %arg7[%dma_wait3A_379, %dma_wait3A_380, %dma_wait3A_381] : memref<16x50x64xf32, #tpu.memory_space<vmem>> -> memref<1x50x64xf32, #tpu.memory_space<vmem>>
      %dma_wait3A_383 = tpu.memref_squeeze %dma_wait3A_382 : memref<1x50x64xf32, #tpu.memory_space<vmem>> -> memref<50x64xf32, #tpu.memory_space<vmem>>
      %dma_wait3A_384 = arith.constant 0 : i32
      %dma_wait3A_385 = tpu.memref_slice %arg5[%dma_wait3A_378, %dma_wait3A_384] : memref<16x50xi32, #tpu.memory_space<vmem>> -> memref<1x50xi32, #tpu.memory_space<vmem>>
      %dma_wait3A_386 = tpu.memref_squeeze %dma_wait3A_385 : memref<1x50xi32, #tpu.memory_space<vmem>> -> memref<50xi32, #tpu.memory_space<vmem>>
      %dma_wait3A_387 = arith.constant 0 : i32
      %dma_wait3A_388 = arith.constant 0 : i32
      %dma_wait3A_389 = tpu.memref_slice %arg3[%dma_wait3A_387, %dma_wait3A_388] : memref<1000000x64xf32, #tpu.memory_space<hbm>> -> memref<1000000x64xf32, #tpu.memory_space<hbm>>
      tpu.wait_indirect_dma semaphore(%arg9 : memref<!tpu.dma_semaphore, #tpu.memory_space<semaphore_mem>>) src(%dma_wait3A_389 : memref<1000000x64xf32, #tpu.memory_space<hbm>>) dst(%dma_wait3A_383 : memref<50x64xf32, #tpu.memory_space<vmem>>)
      %dma_wait3A_390 = arith.constant 14 : i32
      %dma_wait3A_391 = arith.constant 14 : i32
      %dma_wait3A_392 = arith.constant 0 : i32
      %dma_wait3A_393 = arith.constant 0 : i32
      %dma_wait3A_394 = tpu.memref_slice %arg7[%dma_wait3A_391, %dma_wait3A_392, %dma_wait3A_393] : memref<16x50x64xf32, #tpu.memory_space<vmem>> -> memref<1x50x64xf32, #tpu.memory_space<vmem>>
      %dma_wait3A_395 = tpu.memref_squeeze %dma_wait3A_394 : memref<1x50x64xf32, #tpu.memory_space<vmem>> -> memref<50x64xf32, #tpu.memory_space<vmem>>
      %dma_wait3A_396 = arith.constant 0 : i32
      %dma_wait3A_397 = tpu.memref_slice %arg5[%dma_wait3A_390, %dma_wait3A_396] : memref<16x50xi32, #tpu.memory_space<vmem>> -> memref<1x50xi32, #tpu.memory_space<vmem>>
      %dma_wait3A_398 = tpu.memref_squeeze %dma_wait3A_397 : memref<1x50xi32, #tpu.memory_space<vmem>> -> memref<50xi32, #tpu.memory_space<vmem>>
      %dma_wait3A_399 = arith.constant 0 : i32
      %dma_wait3A_400 = arith.constant 0 : i32
      %dma_wait3A_401 = tpu.memref_slice %arg3[%dma_wait3A_399, %dma_wait3A_400] : memref<1000000x64xf32, #tpu.memory_space<hbm>> -> memref<1000000x64xf32, #tpu.memory_space<hbm>>
      tpu.wait_indirect_dma semaphore(%arg9 : memref<!tpu.dma_semaphore, #tpu.memory_space<semaphore_mem>>) src(%dma_wait3A_401 : memref<1000000x64xf32, #tpu.memory_space<hbm>>) dst(%dma_wait3A_395 : memref<50x64xf32, #tpu.memory_space<vmem>>)
      %dma_wait3A_402 = arith.constant 15 : i32
      %dma_wait3A_403 = arith.constant 15 : i32
      %dma_wait3A_404 = arith.constant 0 : i32
      %dma_wait3A_405 = arith.constant 0 : i32
      %dma_wait3A_406 = tpu.memref_slice %arg7[%dma_wait3A_403, %dma_wait3A_404, %dma_wait3A_405] : memref<16x50x64xf32, #tpu.memory_space<vmem>> -> memref<1x50x64xf32, #tpu.memory_space<vmem>>
      %dma_wait3A_407 = tpu.memref_squeeze %dma_wait3A_406 : memref<1x50x64xf32, #tpu.memory_space<vmem>> -> memref<50x64xf32, #tpu.memory_space<vmem>>
      %dma_wait3A_408 = arith.constant 0 : i32
      %dma_wait3A_409 = tpu.memref_slice %arg5[%dma_wait3A_402, %dma_wait3A_408] : memref<16x50xi32, #tpu.memory_space<vmem>> -> memref<1x50xi32, #tpu.memory_space<vmem>>
      %dma_wait3A_410 = tpu.memref_squeeze %dma_wait3A_409 : memref<1x50xi32, #tpu.memory_space<vmem>> -> memref<50xi32, #tpu.memory_space<vmem>>
      %dma_wait3A_411 = arith.constant 0 : i32
      %dma_wait3A_412 = arith.constant 0 : i32
      %dma_wait3A_413 = tpu.memref_slice %arg3[%dma_wait3A_411, %dma_wait3A_412] : memref<1000000x64xf32, #tpu.memory_space<hbm>> -> memref<1000000x64xf32, #tpu.memory_space<hbm>>
      tpu.wait_indirect_dma semaphore(%arg9 : memref<!tpu.dma_semaphore, #tpu.memory_space<semaphore_mem>>) src(%dma_wait3A_413 : memref<1000000x64xf32, #tpu.memory_space<hbm>>) dst(%dma_wait3A_407 : memref<50x64xf32, #tpu.memory_space<vmem>>)
      %dma_start3A_414 = arith.constant 0 : i32
      %dma_start3A_415 = arith.constant 0 : i32
      %dma_start3A_416 = tpu.memref_slice %arg4[%add3A_28, %dma_start3A_414, %dma_start3A_415] : memref<16384x50x64xf32, #tpu.memory_space<hbm>> -> memref<16x50x64xf32, #tpu.memory_space<hbm>>
      %dma_start3A_417 = arith.constant 0 : i32
      %dma_start3A_418 = arith.constant 0 : i32
      %dma_start3A_419 = tpu.memref_slice %arg4[%add3A_28, %dma_start3A_417, %dma_start3A_418] : memref<16384x50x64xf32, #tpu.memory_space<hbm>> -> memref<16x50x64xf32, #tpu.memory_space<hbm>>
      tpu.enqueue_dma source(%arg7 : memref<16x50x64xf32, #tpu.memory_space<vmem>>) target(%dma_start3A_419 : memref<16x50x64xf32, #tpu.memory_space<hbm>>) target_semaphore(%arg11 : memref<!tpu.dma_semaphore, #tpu.memory_space<semaphore_mem>>)
      %mul3A_420 = arith.constant 2 : i32
      %mul3A_421 = arith.muli %mul3A_420, %scan3A_23 : i32
      %add3A_422 = arith.constant 1 : i32
      %add3A_423 = arith.addi %mul3A_421, %add3A_422 : i32
      %mul3A_424 = arith.constant 16 : i32
      %mul3A_425 = arith.muli %add3A_423, %mul3A_424 : i32
      %add3A_426 = arith.addi %mul3A_2, %mul3A_425 : i32
      "tpu.region"() ({
        %run_scoped3A = tpu.sem_alloc : memref<!tpu.dma_semaphore, #tpu.memory_space<semaphore_mem>>
        %dma_start3A_822 = arith.constant 0 : i32
        %dma_start3A_823 = tpu.memref_slice %arg2[%add3A_426, %dma_start3A_822] : memref<16384x50xi32, #tpu.memory_space<hbm>> -> memref<16x50xi32, #tpu.memory_space<hbm>>
        %dma_start3A_824 = arith.constant 0 : i32
        %dma_start3A_825 = tpu.memref_slice %arg2[%add3A_426, %dma_start3A_824] : memref<16384x50xi32, #tpu.memory_space<hbm>> -> memref<16x50xi32, #tpu.memory_space<hbm>>
        tpu.enqueue_dma source(%dma_start3A_825 : memref<16x50xi32, #tpu.memory_space<hbm>>) target(%arg6 : memref<16x50xi32, #tpu.memory_space<vmem>>) target_semaphore(%run_scoped3A : memref<!tpu.dma_semaphore, #tpu.memory_space<semaphore_mem>>)
        %dma_wait3A_826 = arith.constant 0 : i32
        %dma_wait3A_827 = tpu.memref_slice %arg2[%add3A_426, %dma_wait3A_826] : memref<16384x50xi32, #tpu.memory_space<hbm>> -> memref<16x50xi32, #tpu.memory_space<hbm>>
        %dma_wait3A_828 = arith.constant 0 : i32
        %dma_wait3A_829 = tpu.memref_slice %arg2[%add3A_426, %dma_wait3A_828] : memref<16384x50xi32, #tpu.memory_space<hbm>> -> memref<16x50xi32, #tpu.memory_space<hbm>>
        tpu.wait_dma2 semaphore(%run_scoped3A : memref<!tpu.dma_semaphore, #tpu.memory_space<semaphore_mem>>) src(%dma_wait3A_829 : memref<16x50xi32, #tpu.memory_space<hbm>>) dst(%arg6 : memref<16x50xi32, #tpu.memory_space<vmem>>)
        tpu.yield
      }) : () -> ()
      %ge3A_427 = arith.constant 2 : i32
      %ge3A_428 = arith.cmpi sge, %add3A_423, %ge3A_427 : i32
      %convert_element_type3A_429 = arith.extui %ge3A_428 : i1 to i32
      %cond3A_430 = arith.constant 0 : i32
      %cond3A_431 = arith.cmpi ne, %convert_element_type3A_429, %cond3A_430 : i32
      scf.if %cond3A_431 {
        %sub3A = arith.constant 32 : i32
        %sub3A_822 = arith.subi %add3A_426, %sub3A : i32
        %dma_wait3A_823 = arith.constant 0 : i32
        %dma_wait3A_824 = arith.constant 0 : i32
        %dma_wait3A_825 = tpu.memref_slice %arg4[%sub3A_822, %dma_wait3A_823, %dma_wait3A_824] : memref<16384x50x64xf32, #tpu.memory_space<hbm>> -> memref<16x50x64xf32, #tpu.memory_space<hbm>>
        %dma_wait3A_826 = arith.constant 0 : i32
        %dma_wait3A_827 = arith.constant 0 : i32
        %dma_wait3A_828 = tpu.memref_slice %arg4[%sub3A_822, %dma_wait3A_826, %dma_wait3A_827] : memref<16384x50x64xf32, #tpu.memory_space<hbm>> -> memref<16x50x64xf32, #tpu.memory_space<hbm>>
        tpu.wait_dma2 semaphore(%arg12 : memref<!tpu.dma_semaphore, #tpu.memory_space<semaphore_mem>>) src(%arg8 : memref<16x50x64xf32, #tpu.memory_space<vmem>>) dst(%dma_wait3A_828 : memref<16x50x64xf32, #tpu.memory_space<hbm>>)
      } else {
      }
      %dma_start3A_432 = arith.constant 0 : i32
      %dma_start3A_433 = arith.constant 0 : i32
      %dma_start3A_434 = arith.constant 0 : i32
      %dma_start3A_435 = arith.constant 0 : i32
      %dma_start3A_436 = tpu.memref_slice %arg8[%dma_start3A_433, %dma_start3A_434, %dma_start3A_435] : memref<16x50x64xf32, #tpu.memory_space<vmem>> -> memref<1x50x64xf32, #tpu.memory_space<vmem>>
      %dma_start3A_437 = tpu.memref_squeeze %dma_start3A_436 : memref<1x50x64xf32, #tpu.memory_space<vmem>> -> memref<50x64xf32, #tpu.memory_space<vmem>>
      %dma_start3A_438 = arith.constant 0 : i32
      %dma_start3A_439 = tpu.memref_slice %arg6[%dma_start3A_432, %dma_start3A_438] : memref<16x50xi32, #tpu.memory_space<vmem>> -> memref<1x50xi32, #tpu.memory_space<vmem>>
      %dma_start3A_440 = tpu.memref_squeeze %dma_start3A_439 : memref<1x50xi32, #tpu.memory_space<vmem>> -> memref<50xi32, #tpu.memory_space<vmem>>
      %dma_start3A_441 = arith.constant 0 : i32
      %dma_start3A_442 = arith.constant 0 : i32
      %dma_start3A_443 = tpu.memref_slice %arg3[%dma_start3A_441, %dma_start3A_442] : memref<1000000x64xf32, #tpu.memory_space<hbm>> -> memref<1000000x64xf32, #tpu.memory_space<hbm>>
      tpu.enqueue_indirect_dma source(%dma_start3A_443 : memref<1000000x64xf32, #tpu.memory_space<hbm>>) target(%dma_start3A_437 : memref<50x64xf32, #tpu.memory_space<vmem>>) offsets(%dma_start3A_440 : memref<50xi32, #tpu.memory_space<vmem>>) semaphore(%arg10 : memref<!tpu.dma_semaphore, #tpu.memory_space<semaphore_mem>>)
      %dma_start3A_444 = arith.constant 1 : i32
      %dma_start3A_445 = arith.constant 1 : i32
      %dma_start3A_446 = arith.constant 0 : i32
      %dma_start3A_447 = arith.constant 0 : i32
      %dma_start3A_448 = tpu.memref_slice %arg8[%dma_start3A_445, %dma_start3A_446, %dma_start3A_447] : memref<16x50x64xf32, #tpu.memory_space<vmem>> -> memref<1x50x64xf32, #tpu.memory_space<vmem>>
      %dma_start3A_449 = tpu.memref_squeeze %dma_start3A_448 : memref<1x50x64xf32, #tpu.memory_space<vmem>> -> memref<50x64xf32, #tpu.memory_space<vmem>>
      %dma_start3A_450 = arith.constant 0 : i32
      %dma_start3A_451 = tpu.memref_slice %arg6[%dma_start3A_444, %dma_start3A_450] : memref<16x50xi32, #tpu.memory_space<vmem>> -> memref<1x50xi32, #tpu.memory_space<vmem>>
      %dma_start3A_452 = tpu.memref_squeeze %dma_start3A_451 : memref<1x50xi32, #tpu.memory_space<vmem>> -> memref<50xi32, #tpu.memory_space<vmem>>
      %dma_start3A_453 = arith.constant 0 : i32
      %dma_start3A_454 = arith.constant 0 : i32
      %dma_start3A_455 = tpu.memref_slice %arg3[%dma_start3A_453, %dma_start3A_454] : memref<1000000x64xf32, #tpu.memory_space<hbm>> -> memref<1000000x64xf32, #tpu.memory_space<hbm>>
      tpu.enqueue_indirect_dma source(%dma_start3A_455 : memref<1000000x64xf32, #tpu.memory_space<hbm>>) target(%dma_start3A_449 : memref<50x64xf32, #tpu.memory_space<vmem>>) offsets(%dma_start3A_452 : memref<50xi32, #tpu.memory_space<vmem>>) semaphore(%arg10 : memref<!tpu.dma_semaphore, #tpu.memory_space<semaphore_mem>>)
      %dma_start3A_456 = arith.constant 2 : i32
      %dma_start3A_457 = arith.constant 2 : i32
      %dma_start3A_458 = arith.constant 0 : i32
      %dma_start3A_459 = arith.constant 0 : i32
      %dma_start3A_460 = tpu.memref_slice %arg8[%dma_start3A_457, %dma_start3A_458, %dma_start3A_459] : memref<16x50x64xf32, #tpu.memory_space<vmem>> -> memref<1x50x64xf32, #tpu.memory_space<vmem>>
      %dma_start3A_461 = tpu.memref_squeeze %dma_start3A_460 : memref<1x50x64xf32, #tpu.memory_space<vmem>> -> memref<50x64xf32, #tpu.memory_space<vmem>>
      %dma_start3A_462 = arith.constant 0 : i32
      %dma_start3A_463 = tpu.memref_slice %arg6[%dma_start3A_456, %dma_start3A_462] : memref<16x50xi32, #tpu.memory_space<vmem>> -> memref<1x50xi32, #tpu.memory_space<vmem>>
      %dma_start3A_464 = tpu.memref_squeeze %dma_start3A_463 : memref<1x50xi32, #tpu.memory_space<vmem>> -> memref<50xi32, #tpu.memory_space<vmem>>
      %dma_start3A_465 = arith.constant 0 : i32
      %dma_start3A_466 = arith.constant 0 : i32
      %dma_start3A_467 = tpu.memref_slice %arg3[%dma_start3A_465, %dma_start3A_466] : memref<1000000x64xf32, #tpu.memory_space<hbm>> -> memref<1000000x64xf32, #tpu.memory_space<hbm>>
      tpu.enqueue_indirect_dma source(%dma_start3A_467 : memref<1000000x64xf32, #tpu.memory_space<hbm>>) target(%dma_start3A_461 : memref<50x64xf32, #tpu.memory_space<vmem>>) offsets(%dma_start3A_464 : memref<50xi32, #tpu.memory_space<vmem>>) semaphore(%arg10 : memref<!tpu.dma_semaphore, #tpu.memory_space<semaphore_mem>>)
      %dma_start3A_468 = arith.constant 3 : i32
      %dma_start3A_469 = arith.constant 3 : i32
      %dma_start3A_470 = arith.constant 0 : i32
      %dma_start3A_471 = arith.constant 0 : i32
      %dma_start3A_472 = tpu.memref_slice %arg8[%dma_start3A_469, %dma_start3A_470, %dma_start3A_471] : memref<16x50x64xf32, #tpu.memory_space<vmem>> -> memref<1x50x64xf32, #tpu.memory_space<vmem>>
      %dma_start3A_473 = tpu.memref_squeeze %dma_start3A_472 : memref<1x50x64xf32, #tpu.memory_space<vmem>> -> memref<50x64xf32, #tpu.memory_space<vmem>>
      %dma_start3A_474 = arith.constant 0 : i32
      %dma_start3A_475 = tpu.memref_slice %arg6[%dma_start3A_468, %dma_start3A_474] : memref<16x50xi32, #tpu.memory_space<vmem>> -> memref<1x50xi32, #tpu.memory_space<vmem>>
      %dma_start3A_476 = tpu.memref_squeeze %dma_start3A_475 : memref<1x50xi32, #tpu.memory_space<vmem>> -> memref<50xi32, #tpu.memory_space<vmem>>
      %dma_start3A_477 = arith.constant 0 : i32
      %dma_start3A_478 = arith.constant 0 : i32
      %dma_start3A_479 = tpu.memref_slice %arg3[%dma_start3A_477, %dma_start3A_478] : memref<1000000x64xf32, #tpu.memory_space<hbm>> -> memref<1000000x64xf32, #tpu.memory_space<hbm>>
      tpu.enqueue_indirect_dma source(%dma_start3A_479 : memref<1000000x64xf32, #tpu.memory_space<hbm>>) target(%dma_start3A_473 : memref<50x64xf32, #tpu.memory_space<vmem>>) offsets(%dma_start3A_476 : memref<50xi32, #tpu.memory_space<vmem>>) semaphore(%arg10 : memref<!tpu.dma_semaphore, #tpu.memory_space<semaphore_mem>>)
      %dma_start3A_480 = arith.constant 4 : i32
      %dma_start3A_481 = arith.constant 4 : i32
      %dma_start3A_482 = arith.constant 0 : i32
      %dma_start3A_483 = arith.constant 0 : i32
      %dma_start3A_484 = tpu.memref_slice %arg8[%dma_start3A_481, %dma_start3A_482, %dma_start3A_483] : memref<16x50x64xf32, #tpu.memory_space<vmem>> -> memref<1x50x64xf32, #tpu.memory_space<vmem>>
      %dma_start3A_485 = tpu.memref_squeeze %dma_start3A_484 : memref<1x50x64xf32, #tpu.memory_space<vmem>> -> memref<50x64xf32, #tpu.memory_space<vmem>>
      %dma_start3A_486 = arith.constant 0 : i32
      %dma_start3A_487 = tpu.memref_slice %arg6[%dma_start3A_480, %dma_start3A_486] : memref<16x50xi32, #tpu.memory_space<vmem>> -> memref<1x50xi32, #tpu.memory_space<vmem>>
      %dma_start3A_488 = tpu.memref_squeeze %dma_start3A_487 : memref<1x50xi32, #tpu.memory_space<vmem>> -> memref<50xi32, #tpu.memory_space<vmem>>
      %dma_start3A_489 = arith.constant 0 : i32
      %dma_start3A_490 = arith.constant 0 : i32
      %dma_start3A_491 = tpu.memref_slice %arg3[%dma_start3A_489, %dma_start3A_490] : memref<1000000x64xf32, #tpu.memory_space<hbm>> -> memref<1000000x64xf32, #tpu.memory_space<hbm>>
      tpu.enqueue_indirect_dma source(%dma_start3A_491 : memref<1000000x64xf32, #tpu.memory_space<hbm>>) target(%dma_start3A_485 : memref<50x64xf32, #tpu.memory_space<vmem>>) offsets(%dma_start3A_488 : memref<50xi32, #tpu.memory_space<vmem>>) semaphore(%arg10 : memref<!tpu.dma_semaphore, #tpu.memory_space<semaphore_mem>>)
      %dma_start3A_492 = arith.constant 5 : i32
      %dma_start3A_493 = arith.constant 5 : i32
      %dma_start3A_494 = arith.constant 0 : i32
      %dma_start3A_495 = arith.constant 0 : i32
      %dma_start3A_496 = tpu.memref_slice %arg8[%dma_start3A_493, %dma_start3A_494, %dma_start3A_495] : memref<16x50x64xf32, #tpu.memory_space<vmem>> -> memref<1x50x64xf32, #tpu.memory_space<vmem>>
      %dma_start3A_497 = tpu.memref_squeeze %dma_start3A_496 : memref<1x50x64xf32, #tpu.memory_space<vmem>> -> memref<50x64xf32, #tpu.memory_space<vmem>>
      %dma_start3A_498 = arith.constant 0 : i32
      %dma_start3A_499 = tpu.memref_slice %arg6[%dma_start3A_492, %dma_start3A_498] : memref<16x50xi32, #tpu.memory_space<vmem>> -> memref<1x50xi32, #tpu.memory_space<vmem>>
      %dma_start3A_500 = tpu.memref_squeeze %dma_start3A_499 : memref<1x50xi32, #tpu.memory_space<vmem>> -> memref<50xi32, #tpu.memory_space<vmem>>
      %dma_start3A_501 = arith.constant 0 : i32
      %dma_start3A_502 = arith.constant 0 : i32
      %dma_start3A_503 = tpu.memref_slice %arg3[%dma_start3A_501, %dma_start3A_502] : memref<1000000x64xf32, #tpu.memory_space<hbm>> -> memref<1000000x64xf32, #tpu.memory_space<hbm>>
      tpu.enqueue_indirect_dma source(%dma_start3A_503 : memref<1000000x64xf32, #tpu.memory_space<hbm>>) target(%dma_start3A_497 : memref<50x64xf32, #tpu.memory_space<vmem>>) offsets(%dma_start3A_500 : memref<50xi32, #tpu.memory_space<vmem>>) semaphore(%arg10 : memref<!tpu.dma_semaphore, #tpu.memory_space<semaphore_mem>>)
      %dma_start3A_504 = arith.constant 6 : i32
      %dma_start3A_505 = arith.constant 6 : i32
      %dma_start3A_506 = arith.constant 0 : i32
      %dma_start3A_507 = arith.constant 0 : i32
      %dma_start3A_508 = tpu.memref_slice %arg8[%dma_start3A_505, %dma_start3A_506, %dma_start3A_507] : memref<16x50x64xf32, #tpu.memory_space<vmem>> -> memref<1x50x64xf32, #tpu.memory_space<vmem>>
      %dma_start3A_509 = tpu.memref_squeeze %dma_start3A_508 : memref<1x50x64xf32, #tpu.memory_space<vmem>> -> memref<50x64xf32, #tpu.memory_space<vmem>>
      %dma_start3A_510 = arith.constant 0 : i32
      %dma_start3A_511 = tpu.memref_slice %arg6[%dma_start3A_504, %dma_start3A_510] : memref<16x50xi32, #tpu.memory_space<vmem>> -> memref<1x50xi32, #tpu.memory_space<vmem>>
      %dma_start3A_512 = tpu.memref_squeeze %dma_start3A_511 : memref<1x50xi32, #tpu.memory_space<vmem>> -> memref<50xi32, #tpu.memory_space<vmem>>
      %dma_start3A_513 = arith.constant 0 : i32
      %dma_start3A_514 = arith.constant 0 : i32
      %dma_start3A_515 = tpu.memref_slice %arg3[%dma_start3A_513, %dma_start3A_514] : memref<1000000x64xf32, #tpu.memory_space<hbm>> -> memref<1000000x64xf32, #tpu.memory_space<hbm>>
      tpu.enqueue_indirect_dma source(%dma_start3A_515 : memref<1000000x64xf32, #tpu.memory_space<hbm>>) target(%dma_start3A_509 : memref<50x64xf32, #tpu.memory_space<vmem>>) offsets(%dma_start3A_512 : memref<50xi32, #tpu.memory_space<vmem>>) semaphore(%arg10 : memref<!tpu.dma_semaphore, #tpu.memory_space<semaphore_mem>>)
      %dma_start3A_516 = arith.constant 7 : i32
      %dma_start3A_517 = arith.constant 7 : i32
      %dma_start3A_518 = arith.constant 0 : i32
      %dma_start3A_519 = arith.constant 0 : i32
      %dma_start3A_520 = tpu.memref_slice %arg8[%dma_start3A_517, %dma_start3A_518, %dma_start3A_519] : memref<16x50x64xf32, #tpu.memory_space<vmem>> -> memref<1x50x64xf32, #tpu.memory_space<vmem>>
      %dma_start3A_521 = tpu.memref_squeeze %dma_start3A_520 : memref<1x50x64xf32, #tpu.memory_space<vmem>> -> memref<50x64xf32, #tpu.memory_space<vmem>>
      %dma_start3A_522 = arith.constant 0 : i32
      %dma_start3A_523 = tpu.memref_slice %arg6[%dma_start3A_516, %dma_start3A_522] : memref<16x50xi32, #tpu.memory_space<vmem>> -> memref<1x50xi32, #tpu.memory_space<vmem>>
      %dma_start3A_524 = tpu.memref_squeeze %dma_start3A_523 : memref<1x50xi32, #tpu.memory_space<vmem>> -> memref<50xi32, #tpu.memory_space<vmem>>
      %dma_start3A_525 = arith.constant 0 : i32
      %dma_start3A_526 = arith.constant 0 : i32
      %dma_start3A_527 = tpu.memref_slice %arg3[%dma_start3A_525, %dma_start3A_526] : memref<1000000x64xf32, #tpu.memory_space<hbm>> -> memref<1000000x64xf32, #tpu.memory_space<hbm>>
      tpu.enqueue_indirect_dma source(%dma_start3A_527 : memref<1000000x64xf32, #tpu.memory_space<hbm>>) target(%dma_start3A_521 : memref<50x64xf32, #tpu.memory_space<vmem>>) offsets(%dma_start3A_524 : memref<50xi32, #tpu.memory_space<vmem>>) semaphore(%arg10 : memref<!tpu.dma_semaphore, #tpu.memory_space<semaphore_mem>>)
      %dma_start3A_528 = arith.constant 8 : i32
      %dma_start3A_529 = arith.constant 8 : i32
      %dma_start3A_530 = arith.constant 0 : i32
      %dma_start3A_531 = arith.constant 0 : i32
      %dma_start3A_532 = tpu.memref_slice %arg8[%dma_start3A_529, %dma_start3A_530, %dma_start3A_531] : memref<16x50x64xf32, #tpu.memory_space<vmem>> -> memref<1x50x64xf32, #tpu.memory_space<vmem>>
      %dma_start3A_533 = tpu.memref_squeeze %dma_start3A_532 : memref<1x50x64xf32, #tpu.memory_space<vmem>> -> memref<50x64xf32, #tpu.memory_space<vmem>>
      %dma_start3A_534 = arith.constant 0 : i32
      %dma_start3A_535 = tpu.memref_slice %arg6[%dma_start3A_528, %dma_start3A_534] : memref<16x50xi32, #tpu.memory_space<vmem>> -> memref<1x50xi32, #tpu.memory_space<vmem>>
      %dma_start3A_536 = tpu.memref_squeeze %dma_start3A_535 : memref<1x50xi32, #tpu.memory_space<vmem>> -> memref<50xi32, #tpu.memory_space<vmem>>
      %dma_start3A_537 = arith.constant 0 : i32
      %dma_start3A_538 = arith.constant 0 : i32
      %dma_start3A_539 = tpu.memref_slice %arg3[%dma_start3A_537, %dma_start3A_538] : memref<1000000x64xf32, #tpu.memory_space<hbm>> -> memref<1000000x64xf32, #tpu.memory_space<hbm>>
      tpu.enqueue_indirect_dma source(%dma_start3A_539 : memref<1000000x64xf32, #tpu.memory_space<hbm>>) target(%dma_start3A_533 : memref<50x64xf32, #tpu.memory_space<vmem>>) offsets(%dma_start3A_536 : memref<50xi32, #tpu.memory_space<vmem>>) semaphore(%arg10 : memref<!tpu.dma_semaphore, #tpu.memory_space<semaphore_mem>>)
      %dma_start3A_540 = arith.constant 9 : i32
      %dma_start3A_541 = arith.constant 9 : i32
      %dma_start3A_542 = arith.constant 0 : i32
      %dma_start3A_543 = arith.constant 0 : i32
      %dma_start3A_544 = tpu.memref_slice %arg8[%dma_start3A_541, %dma_start3A_542, %dma_start3A_543] : memref<16x50x64xf32, #tpu.memory_space<vmem>> -> memref<1x50x64xf32, #tpu.memory_space<vmem>>
      %dma_start3A_545 = tpu.memref_squeeze %dma_start3A_544 : memref<1x50x64xf32, #tpu.memory_space<vmem>> -> memref<50x64xf32, #tpu.memory_space<vmem>>
      %dma_start3A_546 = arith.constant 0 : i32
      %dma_start3A_547 = tpu.memref_slice %arg6[%dma_start3A_540, %dma_start3A_546] : memref<16x50xi32, #tpu.memory_space<vmem>> -> memref<1x50xi32, #tpu.memory_space<vmem>>
      %dma_start3A_548 = tpu.memref_squeeze %dma_start3A_547 : memref<1x50xi32, #tpu.memory_space<vmem>> -> memref<50xi32, #tpu.memory_space<vmem>>
      %dma_start3A_549 = arith.constant 0 : i32
      %dma_start3A_550 = arith.constant 0 : i32
      %dma_start3A_551 = tpu.memref_slice %arg3[%dma_start3A_549, %dma_start3A_550] : memref<1000000x64xf32, #tpu.memory_space<hbm>> -> memref<1000000x64xf32, #tpu.memory_space<hbm>>
      tpu.enqueue_indirect_dma source(%dma_start3A_551 : memref<1000000x64xf32, #tpu.memory_space<hbm>>) target(%dma_start3A_545 : memref<50x64xf32, #tpu.memory_space<vmem>>) offsets(%dma_start3A_548 : memref<50xi32, #tpu.memory_space<vmem>>) semaphore(%arg10 : memref<!tpu.dma_semaphore, #tpu.memory_space<semaphore_mem>>)
      %dma_start3A_552 = arith.constant 10 : i32
      %dma_start3A_553 = arith.constant 10 : i32
      %dma_start3A_554 = arith.constant 0 : i32
      %dma_start3A_555 = arith.constant 0 : i32
      %dma_start3A_556 = tpu.memref_slice %arg8[%dma_start3A_553, %dma_start3A_554, %dma_start3A_555] : memref<16x50x64xf32, #tpu.memory_space<vmem>> -> memref<1x50x64xf32, #tpu.memory_space<vmem>>
      %dma_start3A_557 = tpu.memref_squeeze %dma_start3A_556 : memref<1x50x64xf32, #tpu.memory_space<vmem>> -> memref<50x64xf32, #tpu.memory_space<vmem>>
      %dma_start3A_558 = arith.constant 0 : i32
      %dma_start3A_559 = tpu.memref_slice %arg6[%dma_start3A_552, %dma_start3A_558] : memref<16x50xi32, #tpu.memory_space<vmem>> -> memref<1x50xi32, #tpu.memory_space<vmem>>
      %dma_start3A_560 = tpu.memref_squeeze %dma_start3A_559 : memref<1x50xi32, #tpu.memory_space<vmem>> -> memref<50xi32, #tpu.memory_space<vmem>>
      %dma_start3A_561 = arith.constant 0 : i32
      %dma_start3A_562 = arith.constant 0 : i32
      %dma_start3A_563 = tpu.memref_slice %arg3[%dma_start3A_561, %dma_start3A_562] : memref<1000000x64xf32, #tpu.memory_space<hbm>> -> memref<1000000x64xf32, #tpu.memory_space<hbm>>
      tpu.enqueue_indirect_dma source(%dma_start3A_563 : memref<1000000x64xf32, #tpu.memory_space<hbm>>) target(%dma_start3A_557 : memref<50x64xf32, #tpu.memory_space<vmem>>) offsets(%dma_start3A_560 : memref<50xi32, #tpu.memory_space<vmem>>) semaphore(%arg10 : memref<!tpu.dma_semaphore, #tpu.memory_space<semaphore_mem>>)
      %dma_start3A_564 = arith.constant 11 : i32
      %dma_start3A_565 = arith.constant 11 : i32
      %dma_start3A_566 = arith.constant 0 : i32
      %dma_start3A_567 = arith.constant 0 : i32
      %dma_start3A_568 = tpu.memref_slice %arg8[%dma_start3A_565, %dma_start3A_566, %dma_start3A_567] : memref<16x50x64xf32, #tpu.memory_space<vmem>> -> memref<1x50x64xf32, #tpu.memory_space<vmem>>
      %dma_start3A_569 = tpu.memref_squeeze %dma_start3A_568 : memref<1x50x64xf32, #tpu.memory_space<vmem>> -> memref<50x64xf32, #tpu.memory_space<vmem>>
      %dma_start3A_570 = arith.constant 0 : i32
      %dma_start3A_571 = tpu.memref_slice %arg6[%dma_start3A_564, %dma_start3A_570] : memref<16x50xi32, #tpu.memory_space<vmem>> -> memref<1x50xi32, #tpu.memory_space<vmem>>
      %dma_start3A_572 = tpu.memref_squeeze %dma_start3A_571 : memref<1x50xi32, #tpu.memory_space<vmem>> -> memref<50xi32, #tpu.memory_space<vmem>>
      %dma_start3A_573 = arith.constant 0 : i32
      %dma_start3A_574 = arith.constant 0 : i32
      %dma_start3A_575 = tpu.memref_slice %arg3[%dma_start3A_573, %dma_start3A_574] : memref<1000000x64xf32, #tpu.memory_space<hbm>> -> memref<1000000x64xf32, #tpu.memory_space<hbm>>
      tpu.enqueue_indirect_dma source(%dma_start3A_575 : memref<1000000x64xf32, #tpu.memory_space<hbm>>) target(%dma_start3A_569 : memref<50x64xf32, #tpu.memory_space<vmem>>) offsets(%dma_start3A_572 : memref<50xi32, #tpu.memory_space<vmem>>) semaphore(%arg10 : memref<!tpu.dma_semaphore, #tpu.memory_space<semaphore_mem>>)
      %dma_start3A_576 = arith.constant 12 : i32
      %dma_start3A_577 = arith.constant 12 : i32
      %dma_start3A_578 = arith.constant 0 : i32
      %dma_start3A_579 = arith.constant 0 : i32
      %dma_start3A_580 = tpu.memref_slice %arg8[%dma_start3A_577, %dma_start3A_578, %dma_start3A_579] : memref<16x50x64xf32, #tpu.memory_space<vmem>> -> memref<1x50x64xf32, #tpu.memory_space<vmem>>
      %dma_start3A_581 = tpu.memref_squeeze %dma_start3A_580 : memref<1x50x64xf32, #tpu.memory_space<vmem>> -> memref<50x64xf32, #tpu.memory_space<vmem>>
      %dma_start3A_582 = arith.constant 0 : i32
      %dma_start3A_583 = tpu.memref_slice %arg6[%dma_start3A_576, %dma_start3A_582] : memref<16x50xi32, #tpu.memory_space<vmem>> -> memref<1x50xi32, #tpu.memory_space<vmem>>
      %dma_start3A_584 = tpu.memref_squeeze %dma_start3A_583 : memref<1x50xi32, #tpu.memory_space<vmem>> -> memref<50xi32, #tpu.memory_space<vmem>>
      %dma_start3A_585 = arith.constant 0 : i32
      %dma_start3A_586 = arith.constant 0 : i32
      %dma_start3A_587 = tpu.memref_slice %arg3[%dma_start3A_585, %dma_start3A_586] : memref<1000000x64xf32, #tpu.memory_space<hbm>> -> memref<1000000x64xf32, #tpu.memory_space<hbm>>
      tpu.enqueue_indirect_dma source(%dma_start3A_587 : memref<1000000x64xf32, #tpu.memory_space<hbm>>) target(%dma_start3A_581 : memref<50x64xf32, #tpu.memory_space<vmem>>) offsets(%dma_start3A_584 : memref<50xi32, #tpu.memory_space<vmem>>) semaphore(%arg10 : memref<!tpu.dma_semaphore, #tpu.memory_space<semaphore_mem>>)
      %dma_start3A_588 = arith.constant 13 : i32
      %dma_start3A_589 = arith.constant 13 : i32
      %dma_start3A_590 = arith.constant 0 : i32
      %dma_start3A_591 = arith.constant 0 : i32
      %dma_start3A_592 = tpu.memref_slice %arg8[%dma_start3A_589, %dma_start3A_590, %dma_start3A_591] : memref<16x50x64xf32, #tpu.memory_space<vmem>> -> memref<1x50x64xf32, #tpu.memory_space<vmem>>
      %dma_start3A_593 = tpu.memref_squeeze %dma_start3A_592 : memref<1x50x64xf32, #tpu.memory_space<vmem>> -> memref<50x64xf32, #tpu.memory_space<vmem>>
      %dma_start3A_594 = arith.constant 0 : i32
      %dma_start3A_595 = tpu.memref_slice %arg6[%dma_start3A_588, %dma_start3A_594] : memref<16x50xi32, #tpu.memory_space<vmem>> -> memref<1x50xi32, #tpu.memory_space<vmem>>
      %dma_start3A_596 = tpu.memref_squeeze %dma_start3A_595 : memref<1x50xi32, #tpu.memory_space<vmem>> -> memref<50xi32, #tpu.memory_space<vmem>>
      %dma_start3A_597 = arith.constant 0 : i32
      %dma_start3A_598 = arith.constant 0 : i32
      %dma_start3A_599 = tpu.memref_slice %arg3[%dma_start3A_597, %dma_start3A_598] : memref<1000000x64xf32, #tpu.memory_space<hbm>> -> memref<1000000x64xf32, #tpu.memory_space<hbm>>
      tpu.enqueue_indirect_dma source(%dma_start3A_599 : memref<1000000x64xf32, #tpu.memory_space<hbm>>) target(%dma_start3A_593 : memref<50x64xf32, #tpu.memory_space<vmem>>) offsets(%dma_start3A_596 : memref<50xi32, #tpu.memory_space<vmem>>) semaphore(%arg10 : memref<!tpu.dma_semaphore, #tpu.memory_space<semaphore_mem>>)
      %dma_start3A_600 = arith.constant 14 : i32
      %dma_start3A_601 = arith.constant 14 : i32
      %dma_start3A_602 = arith.constant 0 : i32
      %dma_start3A_603 = arith.constant 0 : i32
      %dma_start3A_604 = tpu.memref_slice %arg8[%dma_start3A_601, %dma_start3A_602, %dma_start3A_603] : memref<16x50x64xf32, #tpu.memory_space<vmem>> -> memref<1x50x64xf32, #tpu.memory_space<vmem>>
      %dma_start3A_605 = tpu.memref_squeeze %dma_start3A_604 : memref<1x50x64xf32, #tpu.memory_space<vmem>> -> memref<50x64xf32, #tpu.memory_space<vmem>>
      %dma_start3A_606 = arith.constant 0 : i32
      %dma_start3A_607 = tpu.memref_slice %arg6[%dma_start3A_600, %dma_start3A_606] : memref<16x50xi32, #tpu.memory_space<vmem>> -> memref<1x50xi32, #tpu.memory_space<vmem>>
      %dma_start3A_608 = tpu.memref_squeeze %dma_start3A_607 : memref<1x50xi32, #tpu.memory_space<vmem>> -> memref<50xi32, #tpu.memory_space<vmem>>
      %dma_start3A_609 = arith.constant 0 : i32
      %dma_start3A_610 = arith.constant 0 : i32
      %dma_start3A_611 = tpu.memref_slice %arg3[%dma_start3A_609, %dma_start3A_610] : memref<1000000x64xf32, #tpu.memory_space<hbm>> -> memref<1000000x64xf32, #tpu.memory_space<hbm>>
      tpu.enqueue_indirect_dma source(%dma_start3A_611 : memref<1000000x64xf32, #tpu.memory_space<hbm>>) target(%dma_start3A_605 : memref<50x64xf32, #tpu.memory_space<vmem>>) offsets(%dma_start3A_608 : memref<50xi32, #tpu.memory_space<vmem>>) semaphore(%arg10 : memref<!tpu.dma_semaphore, #tpu.memory_space<semaphore_mem>>)
      %dma_start3A_612 = arith.constant 15 : i32
      %dma_start3A_613 = arith.constant 15 : i32
      %dma_start3A_614 = arith.constant 0 : i32
      %dma_start3A_615 = arith.constant 0 : i32
      %dma_start3A_616 = tpu.memref_slice %arg8[%dma_start3A_613, %dma_start3A_614, %dma_start3A_615] : memref<16x50x64xf32, #tpu.memory_space<vmem>> -> memref<1x50x64xf32, #tpu.memory_space<vmem>>
      %dma_start3A_617 = tpu.memref_squeeze %dma_start3A_616 : memref<1x50x64xf32, #tpu.memory_space<vmem>> -> memref<50x64xf32, #tpu.memory_space<vmem>>
      %dma_start3A_618 = arith.constant 0 : i32
      %dma_start3A_619 = tpu.memref_slice %arg6[%dma_start3A_612, %dma_start3A_618] : memref<16x50xi32, #tpu.memory_space<vmem>> -> memref<1x50xi32, #tpu.memory_space<vmem>>
      %dma_start3A_620 = tpu.memref_squeeze %dma_start3A_619 : memref<1x50xi32, #tpu.memory_space<vmem>> -> memref<50xi32, #tpu.memory_space<vmem>>
      %dma_start3A_621 = arith.constant 0 : i32
      %dma_start3A_622 = arith.constant 0 : i32
      %dma_start3A_623 = tpu.memref_slice %arg3[%dma_start3A_621, %dma_start3A_622] : memref<1000000x64xf32, #tpu.memory_space<hbm>> -> memref<1000000x64xf32, #tpu.memory_space<hbm>>
      tpu.enqueue_indirect_dma source(%dma_start3A_623 : memref<1000000x64xf32, #tpu.memory_space<hbm>>) target(%dma_start3A_617 : memref<50x64xf32, #tpu.memory_space<vmem>>) offsets(%dma_start3A_620 : memref<50xi32, #tpu.memory_space<vmem>>) semaphore(%arg10 : memref<!tpu.dma_semaphore, #tpu.memory_space<semaphore_mem>>)
      %dma_wait3A_624 = arith.constant 0 : i32
      %dma_wait3A_625 = arith.constant 0 : i32
      %dma_wait3A_626 = arith.constant 0 : i32
      %dma_wait3A_627 = arith.constant 0 : i32
      %dma_wait3A_628 = tpu.memref_slice %arg8[%dma_wait3A_625, %dma_wait3A_626, %dma_wait3A_627] : memref<16x50x64xf32, #tpu.memory_space<vmem>> -> memref<1x50x64xf32, #tpu.memory_space<vmem>>
      %dma_wait3A_629 = tpu.memref_squeeze %dma_wait3A_628 : memref<1x50x64xf32, #tpu.memory_space<vmem>> -> memref<50x64xf32, #tpu.memory_space<vmem>>
      %dma_wait3A_630 = arith.constant 0 : i32
      %dma_wait3A_631 = tpu.memref_slice %arg6[%dma_wait3A_624, %dma_wait3A_630] : memref<16x50xi32, #tpu.memory_space<vmem>> -> memref<1x50xi32, #tpu.memory_space<vmem>>
      %dma_wait3A_632 = tpu.memref_squeeze %dma_wait3A_631 : memref<1x50xi32, #tpu.memory_space<vmem>> -> memref<50xi32, #tpu.memory_space<vmem>>
      %dma_wait3A_633 = arith.constant 0 : i32
      %dma_wait3A_634 = arith.constant 0 : i32
      %dma_wait3A_635 = tpu.memref_slice %arg3[%dma_wait3A_633, %dma_wait3A_634] : memref<1000000x64xf32, #tpu.memory_space<hbm>> -> memref<1000000x64xf32, #tpu.memory_space<hbm>>
      tpu.wait_indirect_dma semaphore(%arg10 : memref<!tpu.dma_semaphore, #tpu.memory_space<semaphore_mem>>) src(%dma_wait3A_635 : memref<1000000x64xf32, #tpu.memory_space<hbm>>) dst(%dma_wait3A_629 : memref<50x64xf32, #tpu.memory_space<vmem>>)
      %dma_wait3A_636 = arith.constant 1 : i32
      %dma_wait3A_637 = arith.constant 1 : i32
      %dma_wait3A_638 = arith.constant 0 : i32
      %dma_wait3A_639 = arith.constant 0 : i32
      %dma_wait3A_640 = tpu.memref_slice %arg8[%dma_wait3A_637, %dma_wait3A_638, %dma_wait3A_639] : memref<16x50x64xf32, #tpu.memory_space<vmem>> -> memref<1x50x64xf32, #tpu.memory_space<vmem>>
      %dma_wait3A_641 = tpu.memref_squeeze %dma_wait3A_640 : memref<1x50x64xf32, #tpu.memory_space<vmem>> -> memref<50x64xf32, #tpu.memory_space<vmem>>
      %dma_wait3A_642 = arith.constant 0 : i32
      %dma_wait3A_643 = tpu.memref_slice %arg6[%dma_wait3A_636, %dma_wait3A_642] : memref<16x50xi32, #tpu.memory_space<vmem>> -> memref<1x50xi32, #tpu.memory_space<vmem>>
      %dma_wait3A_644 = tpu.memref_squeeze %dma_wait3A_643 : memref<1x50xi32, #tpu.memory_space<vmem>> -> memref<50xi32, #tpu.memory_space<vmem>>
      %dma_wait3A_645 = arith.constant 0 : i32
      %dma_wait3A_646 = arith.constant 0 : i32
      %dma_wait3A_647 = tpu.memref_slice %arg3[%dma_wait3A_645, %dma_wait3A_646] : memref<1000000x64xf32, #tpu.memory_space<hbm>> -> memref<1000000x64xf32, #tpu.memory_space<hbm>>
      tpu.wait_indirect_dma semaphore(%arg10 : memref<!tpu.dma_semaphore, #tpu.memory_space<semaphore_mem>>) src(%dma_wait3A_647 : memref<1000000x64xf32, #tpu.memory_space<hbm>>) dst(%dma_wait3A_641 : memref<50x64xf32, #tpu.memory_space<vmem>>)
      %dma_wait3A_648 = arith.constant 2 : i32
      %dma_wait3A_649 = arith.constant 2 : i32
      %dma_wait3A_650 = arith.constant 0 : i32
      %dma_wait3A_651 = arith.constant 0 : i32
      %dma_wait3A_652 = tpu.memref_slice %arg8[%dma_wait3A_649, %dma_wait3A_650, %dma_wait3A_651] : memref<16x50x64xf32, #tpu.memory_space<vmem>> -> memref<1x50x64xf32, #tpu.memory_space<vmem>>
      %dma_wait3A_653 = tpu.memref_squeeze %dma_wait3A_652 : memref<1x50x64xf32, #tpu.memory_space<vmem>> -> memref<50x64xf32, #tpu.memory_space<vmem>>
      %dma_wait3A_654 = arith.constant 0 : i32
      %dma_wait3A_655 = tpu.memref_slice %arg6[%dma_wait3A_648, %dma_wait3A_654] : memref<16x50xi32, #tpu.memory_space<vmem>> -> memref<1x50xi32, #tpu.memory_space<vmem>>
      %dma_wait3A_656 = tpu.memref_squeeze %dma_wait3A_655 : memref<1x50xi32, #tpu.memory_space<vmem>> -> memref<50xi32, #tpu.memory_space<vmem>>
      %dma_wait3A_657 = arith.constant 0 : i32
      %dma_wait3A_658 = arith.constant 0 : i32
      %dma_wait3A_659 = tpu.memref_slice %arg3[%dma_wait3A_657, %dma_wait3A_658] : memref<1000000x64xf32, #tpu.memory_space<hbm>> -> memref<1000000x64xf32, #tpu.memory_space<hbm>>
      tpu.wait_indirect_dma semaphore(%arg10 : memref<!tpu.dma_semaphore, #tpu.memory_space<semaphore_mem>>) src(%dma_wait3A_659 : memref<1000000x64xf32, #tpu.memory_space<hbm>>) dst(%dma_wait3A_653 : memref<50x64xf32, #tpu.memory_space<vmem>>)
      %dma_wait3A_660 = arith.constant 3 : i32
      %dma_wait3A_661 = arith.constant 3 : i32
      %dma_wait3A_662 = arith.constant 0 : i32
      %dma_wait3A_663 = arith.constant 0 : i32
      %dma_wait3A_664 = tpu.memref_slice %arg8[%dma_wait3A_661, %dma_wait3A_662, %dma_wait3A_663] : memref<16x50x64xf32, #tpu.memory_space<vmem>> -> memref<1x50x64xf32, #tpu.memory_space<vmem>>
      %dma_wait3A_665 = tpu.memref_squeeze %dma_wait3A_664 : memref<1x50x64xf32, #tpu.memory_space<vmem>> -> memref<50x64xf32, #tpu.memory_space<vmem>>
      %dma_wait3A_666 = arith.constant 0 : i32
      %dma_wait3A_667 = tpu.memref_slice %arg6[%dma_wait3A_660, %dma_wait3A_666] : memref<16x50xi32, #tpu.memory_space<vmem>> -> memref<1x50xi32, #tpu.memory_space<vmem>>
      %dma_wait3A_668 = tpu.memref_squeeze %dma_wait3A_667 : memref<1x50xi32, #tpu.memory_space<vmem>> -> memref<50xi32, #tpu.memory_space<vmem>>
      %dma_wait3A_669 = arith.constant 0 : i32
      %dma_wait3A_670 = arith.constant 0 : i32
      %dma_wait3A_671 = tpu.memref_slice %arg3[%dma_wait3A_669, %dma_wait3A_670] : memref<1000000x64xf32, #tpu.memory_space<hbm>> -> memref<1000000x64xf32, #tpu.memory_space<hbm>>
      tpu.wait_indirect_dma semaphore(%arg10 : memref<!tpu.dma_semaphore, #tpu.memory_space<semaphore_mem>>) src(%dma_wait3A_671 : memref<1000000x64xf32, #tpu.memory_space<hbm>>) dst(%dma_wait3A_665 : memref<50x64xf32, #tpu.memory_space<vmem>>)
      %dma_wait3A_672 = arith.constant 4 : i32
      %dma_wait3A_673 = arith.constant 4 : i32
      %dma_wait3A_674 = arith.constant 0 : i32
      %dma_wait3A_675 = arith.constant 0 : i32
      %dma_wait3A_676 = tpu.memref_slice %arg8[%dma_wait3A_673, %dma_wait3A_674, %dma_wait3A_675] : memref<16x50x64xf32, #tpu.memory_space<vmem>> -> memref<1x50x64xf32, #tpu.memory_space<vmem>>
      %dma_wait3A_677 = tpu.memref_squeeze %dma_wait3A_676 : memref<1x50x64xf32, #tpu.memory_space<vmem>> -> memref<50x64xf32, #tpu.memory_space<vmem>>
      %dma_wait3A_678 = arith.constant 0 : i32
      %dma_wait3A_679 = tpu.memref_slice %arg6[%dma_wait3A_672, %dma_wait3A_678] : memref<16x50xi32, #tpu.memory_space<vmem>> -> memref<1x50xi32, #tpu.memory_space<vmem>>
      %dma_wait3A_680 = tpu.memref_squeeze %dma_wait3A_679 : memref<1x50xi32, #tpu.memory_space<vmem>> -> memref<50xi32, #tpu.memory_space<vmem>>
      %dma_wait3A_681 = arith.constant 0 : i32
      %dma_wait3A_682 = arith.constant 0 : i32
      %dma_wait3A_683 = tpu.memref_slice %arg3[%dma_wait3A_681, %dma_wait3A_682] : memref<1000000x64xf32, #tpu.memory_space<hbm>> -> memref<1000000x64xf32, #tpu.memory_space<hbm>>
      tpu.wait_indirect_dma semaphore(%arg10 : memref<!tpu.dma_semaphore, #tpu.memory_space<semaphore_mem>>) src(%dma_wait3A_683 : memref<1000000x64xf32, #tpu.memory_space<hbm>>) dst(%dma_wait3A_677 : memref<50x64xf32, #tpu.memory_space<vmem>>)
      %dma_wait3A_684 = arith.constant 5 : i32
      %dma_wait3A_685 = arith.constant 5 : i32
      %dma_wait3A_686 = arith.constant 0 : i32
      %dma_wait3A_687 = arith.constant 0 : i32
      %dma_wait3A_688 = tpu.memref_slice %arg8[%dma_wait3A_685, %dma_wait3A_686, %dma_wait3A_687] : memref<16x50x64xf32, #tpu.memory_space<vmem>> -> memref<1x50x64xf32, #tpu.memory_space<vmem>>
      %dma_wait3A_689 = tpu.memref_squeeze %dma_wait3A_688 : memref<1x50x64xf32, #tpu.memory_space<vmem>> -> memref<50x64xf32, #tpu.memory_space<vmem>>
      %dma_wait3A_690 = arith.constant 0 : i32
      %dma_wait3A_691 = tpu.memref_slice %arg6[%dma_wait3A_684, %dma_wait3A_690] : memref<16x50xi32, #tpu.memory_space<vmem>> -> memref<1x50xi32, #tpu.memory_space<vmem>>
      %dma_wait3A_692 = tpu.memref_squeeze %dma_wait3A_691 : memref<1x50xi32, #tpu.memory_space<vmem>> -> memref<50xi32, #tpu.memory_space<vmem>>
      %dma_wait3A_693 = arith.constant 0 : i32
      %dma_wait3A_694 = arith.constant 0 : i32
      %dma_wait3A_695 = tpu.memref_slice %arg3[%dma_wait3A_693, %dma_wait3A_694] : memref<1000000x64xf32, #tpu.memory_space<hbm>> -> memref<1000000x64xf32, #tpu.memory_space<hbm>>
      tpu.wait_indirect_dma semaphore(%arg10 : memref<!tpu.dma_semaphore, #tpu.memory_space<semaphore_mem>>) src(%dma_wait3A_695 : memref<1000000x64xf32, #tpu.memory_space<hbm>>) dst(%dma_wait3A_689 : memref<50x64xf32, #tpu.memory_space<vmem>>)
      %dma_wait3A_696 = arith.constant 6 : i32
      %dma_wait3A_697 = arith.constant 6 : i32
      %dma_wait3A_698 = arith.constant 0 : i32
      %dma_wait3A_699 = arith.constant 0 : i32
      %dma_wait3A_700 = tpu.memref_slice %arg8[%dma_wait3A_697, %dma_wait3A_698, %dma_wait3A_699] : memref<16x50x64xf32, #tpu.memory_space<vmem>> -> memref<1x50x64xf32, #tpu.memory_space<vmem>>
      %dma_wait3A_701 = tpu.memref_squeeze %dma_wait3A_700 : memref<1x50x64xf32, #tpu.memory_space<vmem>> -> memref<50x64xf32, #tpu.memory_space<vmem>>
      %dma_wait3A_702 = arith.constant 0 : i32
      %dma_wait3A_703 = tpu.memref_slice %arg6[%dma_wait3A_696, %dma_wait3A_702] : memref<16x50xi32, #tpu.memory_space<vmem>> -> memref<1x50xi32, #tpu.memory_space<vmem>>
      %dma_wait3A_704 = tpu.memref_squeeze %dma_wait3A_703 : memref<1x50xi32, #tpu.memory_space<vmem>> -> memref<50xi32, #tpu.memory_space<vmem>>
      %dma_wait3A_705 = arith.constant 0 : i32
      %dma_wait3A_706 = arith.constant 0 : i32
      %dma_wait3A_707 = tpu.memref_slice %arg3[%dma_wait3A_705, %dma_wait3A_706] : memref<1000000x64xf32, #tpu.memory_space<hbm>> -> memref<1000000x64xf32, #tpu.memory_space<hbm>>
      tpu.wait_indirect_dma semaphore(%arg10 : memref<!tpu.dma_semaphore, #tpu.memory_space<semaphore_mem>>) src(%dma_wait3A_707 : memref<1000000x64xf32, #tpu.memory_space<hbm>>) dst(%dma_wait3A_701 : memref<50x64xf32, #tpu.memory_space<vmem>>)
      %dma_wait3A_708 = arith.constant 7 : i32
      %dma_wait3A_709 = arith.constant 7 : i32
      %dma_wait3A_710 = arith.constant 0 : i32
      %dma_wait3A_711 = arith.constant 0 : i32
      %dma_wait3A_712 = tpu.memref_slice %arg8[%dma_wait3A_709, %dma_wait3A_710, %dma_wait3A_711] : memref<16x50x64xf32, #tpu.memory_space<vmem>> -> memref<1x50x64xf32, #tpu.memory_space<vmem>>
      %dma_wait3A_713 = tpu.memref_squeeze %dma_wait3A_712 : memref<1x50x64xf32, #tpu.memory_space<vmem>> -> memref<50x64xf32, #tpu.memory_space<vmem>>
      %dma_wait3A_714 = arith.constant 0 : i32
      %dma_wait3A_715 = tpu.memref_slice %arg6[%dma_wait3A_708, %dma_wait3A_714] : memref<16x50xi32, #tpu.memory_space<vmem>> -> memref<1x50xi32, #tpu.memory_space<vmem>>
      %dma_wait3A_716 = tpu.memref_squeeze %dma_wait3A_715 : memref<1x50xi32, #tpu.memory_space<vmem>> -> memref<50xi32, #tpu.memory_space<vmem>>
      %dma_wait3A_717 = arith.constant 0 : i32
      %dma_wait3A_718 = arith.constant 0 : i32
      %dma_wait3A_719 = tpu.memref_slice %arg3[%dma_wait3A_717, %dma_wait3A_718] : memref<1000000x64xf32, #tpu.memory_space<hbm>> -> memref<1000000x64xf32, #tpu.memory_space<hbm>>
      tpu.wait_indirect_dma semaphore(%arg10 : memref<!tpu.dma_semaphore, #tpu.memory_space<semaphore_mem>>) src(%dma_wait3A_719 : memref<1000000x64xf32, #tpu.memory_space<hbm>>) dst(%dma_wait3A_713 : memref<50x64xf32, #tpu.memory_space<vmem>>)
      %dma_wait3A_720 = arith.constant 8 : i32
      %dma_wait3A_721 = arith.constant 8 : i32
      %dma_wait3A_722 = arith.constant 0 : i32
      %dma_wait3A_723 = arith.constant 0 : i32
      %dma_wait3A_724 = tpu.memref_slice %arg8[%dma_wait3A_721, %dma_wait3A_722, %dma_wait3A_723] : memref<16x50x64xf32, #tpu.memory_space<vmem>> -> memref<1x50x64xf32, #tpu.memory_space<vmem>>
      %dma_wait3A_725 = tpu.memref_squeeze %dma_wait3A_724 : memref<1x50x64xf32, #tpu.memory_space<vmem>> -> memref<50x64xf32, #tpu.memory_space<vmem>>
      %dma_wait3A_726 = arith.constant 0 : i32
      %dma_wait3A_727 = tpu.memref_slice %arg6[%dma_wait3A_720, %dma_wait3A_726] : memref<16x50xi32, #tpu.memory_space<vmem>> -> memref<1x50xi32, #tpu.memory_space<vmem>>
      %dma_wait3A_728 = tpu.memref_squeeze %dma_wait3A_727 : memref<1x50xi32, #tpu.memory_space<vmem>> -> memref<50xi32, #tpu.memory_space<vmem>>
      %dma_wait3A_729 = arith.constant 0 : i32
      %dma_wait3A_730 = arith.constant 0 : i32
      %dma_wait3A_731 = tpu.memref_slice %arg3[%dma_wait3A_729, %dma_wait3A_730] : memref<1000000x64xf32, #tpu.memory_space<hbm>> -> memref<1000000x64xf32, #tpu.memory_space<hbm>>
      tpu.wait_indirect_dma semaphore(%arg10 : memref<!tpu.dma_semaphore, #tpu.memory_space<semaphore_mem>>) src(%dma_wait3A_731 : memref<1000000x64xf32, #tpu.memory_space<hbm>>) dst(%dma_wait3A_725 : memref<50x64xf32, #tpu.memory_space<vmem>>)
      %dma_wait3A_732 = arith.constant 9 : i32
      %dma_wait3A_733 = arith.constant 9 : i32
      %dma_wait3A_734 = arith.constant 0 : i32
      %dma_wait3A_735 = arith.constant 0 : i32
      %dma_wait3A_736 = tpu.memref_slice %arg8[%dma_wait3A_733, %dma_wait3A_734, %dma_wait3A_735] : memref<16x50x64xf32, #tpu.memory_space<vmem>> -> memref<1x50x64xf32, #tpu.memory_space<vmem>>
      %dma_wait3A_737 = tpu.memref_squeeze %dma_wait3A_736 : memref<1x50x64xf32, #tpu.memory_space<vmem>> -> memref<50x64xf32, #tpu.memory_space<vmem>>
      %dma_wait3A_738 = arith.constant 0 : i32
      %dma_wait3A_739 = tpu.memref_slice %arg6[%dma_wait3A_732, %dma_wait3A_738] : memref<16x50xi32, #tpu.memory_space<vmem>> -> memref<1x50xi32, #tpu.memory_space<vmem>>
      %dma_wait3A_740 = tpu.memref_squeeze %dma_wait3A_739 : memref<1x50xi32, #tpu.memory_space<vmem>> -> memref<50xi32, #tpu.memory_space<vmem>>
      %dma_wait3A_741 = arith.constant 0 : i32
      %dma_wait3A_742 = arith.constant 0 : i32
      %dma_wait3A_743 = tpu.memref_slice %arg3[%dma_wait3A_741, %dma_wait3A_742] : memref<1000000x64xf32, #tpu.memory_space<hbm>> -> memref<1000000x64xf32, #tpu.memory_space<hbm>>
      tpu.wait_indirect_dma semaphore(%arg10 : memref<!tpu.dma_semaphore, #tpu.memory_space<semaphore_mem>>) src(%dma_wait3A_743 : memref<1000000x64xf32, #tpu.memory_space<hbm>>) dst(%dma_wait3A_737 : memref<50x64xf32, #tpu.memory_space<vmem>>)
      %dma_wait3A_744 = arith.constant 10 : i32
      %dma_wait3A_745 = arith.constant 10 : i32
      %dma_wait3A_746 = arith.constant 0 : i32
      %dma_wait3A_747 = arith.constant 0 : i32
      %dma_wait3A_748 = tpu.memref_slice %arg8[%dma_wait3A_745, %dma_wait3A_746, %dma_wait3A_747] : memref<16x50x64xf32, #tpu.memory_space<vmem>> -> memref<1x50x64xf32, #tpu.memory_space<vmem>>
      %dma_wait3A_749 = tpu.memref_squeeze %dma_wait3A_748 : memref<1x50x64xf32, #tpu.memory_space<vmem>> -> memref<50x64xf32, #tpu.memory_space<vmem>>
      %dma_wait3A_750 = arith.constant 0 : i32
      %dma_wait3A_751 = tpu.memref_slice %arg6[%dma_wait3A_744, %dma_wait3A_750] : memref<16x50xi32, #tpu.memory_space<vmem>> -> memref<1x50xi32, #tpu.memory_space<vmem>>
      %dma_wait3A_752 = tpu.memref_squeeze %dma_wait3A_751 : memref<1x50xi32, #tpu.memory_space<vmem>> -> memref<50xi32, #tpu.memory_space<vmem>>
      %dma_wait3A_753 = arith.constant 0 : i32
      %dma_wait3A_754 = arith.constant 0 : i32
      %dma_wait3A_755 = tpu.memref_slice %arg3[%dma_wait3A_753, %dma_wait3A_754] : memref<1000000x64xf32, #tpu.memory_space<hbm>> -> memref<1000000x64xf32, #tpu.memory_space<hbm>>
      tpu.wait_indirect_dma semaphore(%arg10 : memref<!tpu.dma_semaphore, #tpu.memory_space<semaphore_mem>>) src(%dma_wait3A_755 : memref<1000000x64xf32, #tpu.memory_space<hbm>>) dst(%dma_wait3A_749 : memref<50x64xf32, #tpu.memory_space<vmem>>)
      %dma_wait3A_756 = arith.constant 11 : i32
      %dma_wait3A_757 = arith.constant 11 : i32
      %dma_wait3A_758 = arith.constant 0 : i32
      %dma_wait3A_759 = arith.constant 0 : i32
      %dma_wait3A_760 = tpu.memref_slice %arg8[%dma_wait3A_757, %dma_wait3A_758, %dma_wait3A_759] : memref<16x50x64xf32, #tpu.memory_space<vmem>> -> memref<1x50x64xf32, #tpu.memory_space<vmem>>
      %dma_wait3A_761 = tpu.memref_squeeze %dma_wait3A_760 : memref<1x50x64xf32, #tpu.memory_space<vmem>> -> memref<50x64xf32, #tpu.memory_space<vmem>>
      %dma_wait3A_762 = arith.constant 0 : i32
      %dma_wait3A_763 = tpu.memref_slice %arg6[%dma_wait3A_756, %dma_wait3A_762] : memref<16x50xi32, #tpu.memory_space<vmem>> -> memref<1x50xi32, #tpu.memory_space<vmem>>
      %dma_wait3A_764 = tpu.memref_squeeze %dma_wait3A_763 : memref<1x50xi32, #tpu.memory_space<vmem>> -> memref<50xi32, #tpu.memory_space<vmem>>
      %dma_wait3A_765 = arith.constant 0 : i32
      %dma_wait3A_766 = arith.constant 0 : i32
      %dma_wait3A_767 = tpu.memref_slice %arg3[%dma_wait3A_765, %dma_wait3A_766] : memref<1000000x64xf32, #tpu.memory_space<hbm>> -> memref<1000000x64xf32, #tpu.memory_space<hbm>>
      tpu.wait_indirect_dma semaphore(%arg10 : memref<!tpu.dma_semaphore, #tpu.memory_space<semaphore_mem>>) src(%dma_wait3A_767 : memref<1000000x64xf32, #tpu.memory_space<hbm>>) dst(%dma_wait3A_761 : memref<50x64xf32, #tpu.memory_space<vmem>>)
      %dma_wait3A_768 = arith.constant 12 : i32
      %dma_wait3A_769 = arith.constant 12 : i32
      %dma_wait3A_770 = arith.constant 0 : i32
      %dma_wait3A_771 = arith.constant 0 : i32
      %dma_wait3A_772 = tpu.memref_slice %arg8[%dma_wait3A_769, %dma_wait3A_770, %dma_wait3A_771] : memref<16x50x64xf32, #tpu.memory_space<vmem>> -> memref<1x50x64xf32, #tpu.memory_space<vmem>>
      %dma_wait3A_773 = tpu.memref_squeeze %dma_wait3A_772 : memref<1x50x64xf32, #tpu.memory_space<vmem>> -> memref<50x64xf32, #tpu.memory_space<vmem>>
      %dma_wait3A_774 = arith.constant 0 : i32
      %dma_wait3A_775 = tpu.memref_slice %arg6[%dma_wait3A_768, %dma_wait3A_774] : memref<16x50xi32, #tpu.memory_space<vmem>> -> memref<1x50xi32, #tpu.memory_space<vmem>>
      %dma_wait3A_776 = tpu.memref_squeeze %dma_wait3A_775 : memref<1x50xi32, #tpu.memory_space<vmem>> -> memref<50xi32, #tpu.memory_space<vmem>>
      %dma_wait3A_777 = arith.constant 0 : i32
      %dma_wait3A_778 = arith.constant 0 : i32
      %dma_wait3A_779 = tpu.memref_slice %arg3[%dma_wait3A_777, %dma_wait3A_778] : memref<1000000x64xf32, #tpu.memory_space<hbm>> -> memref<1000000x64xf32, #tpu.memory_space<hbm>>
      tpu.wait_indirect_dma semaphore(%arg10 : memref<!tpu.dma_semaphore, #tpu.memory_space<semaphore_mem>>) src(%dma_wait3A_779 : memref<1000000x64xf32, #tpu.memory_space<hbm>>) dst(%dma_wait3A_773 : memref<50x64xf32, #tpu.memory_space<vmem>>)
      %dma_wait3A_780 = arith.constant 13 : i32
      %dma_wait3A_781 = arith.constant 13 : i32
      %dma_wait3A_782 = arith.constant 0 : i32
      %dma_wait3A_783 = arith.constant 0 : i32
      %dma_wait3A_784 = tpu.memref_slice %arg8[%dma_wait3A_781, %dma_wait3A_782, %dma_wait3A_783] : memref<16x50x64xf32, #tpu.memory_space<vmem>> -> memref<1x50x64xf32, #tpu.memory_space<vmem>>
      %dma_wait3A_785 = tpu.memref_squeeze %dma_wait3A_784 : memref<1x50x64xf32, #tpu.memory_space<vmem>> -> memref<50x64xf32, #tpu.memory_space<vmem>>
      %dma_wait3A_786 = arith.constant 0 : i32
      %dma_wait3A_787 = tpu.memref_slice %arg6[%dma_wait3A_780, %dma_wait3A_786] : memref<16x50xi32, #tpu.memory_space<vmem>> -> memref<1x50xi32, #tpu.memory_space<vmem>>
      %dma_wait3A_788 = tpu.memref_squeeze %dma_wait3A_787 : memref<1x50xi32, #tpu.memory_space<vmem>> -> memref<50xi32, #tpu.memory_space<vmem>>
      %dma_wait3A_789 = arith.constant 0 : i32
      %dma_wait3A_790 = arith.constant 0 : i32
      %dma_wait3A_791 = tpu.memref_slice %arg3[%dma_wait3A_789, %dma_wait3A_790] : memref<1000000x64xf32, #tpu.memory_space<hbm>> -> memref<1000000x64xf32, #tpu.memory_space<hbm>>
      tpu.wait_indirect_dma semaphore(%arg10 : memref<!tpu.dma_semaphore, #tpu.memory_space<semaphore_mem>>) src(%dma_wait3A_791 : memref<1000000x64xf32, #tpu.memory_space<hbm>>) dst(%dma_wait3A_785 : memref<50x64xf32, #tpu.memory_space<vmem>>)
      %dma_wait3A_792 = arith.constant 14 : i32
      %dma_wait3A_793 = arith.constant 14 : i32
      %dma_wait3A_794 = arith.constant 0 : i32
      %dma_wait3A_795 = arith.constant 0 : i32
      %dma_wait3A_796 = tpu.memref_slice %arg8[%dma_wait3A_793, %dma_wait3A_794, %dma_wait3A_795] : memref<16x50x64xf32, #tpu.memory_space<vmem>> -> memref<1x50x64xf32, #tpu.memory_space<vmem>>
      %dma_wait3A_797 = tpu.memref_squeeze %dma_wait3A_796 : memref<1x50x64xf32, #tpu.memory_space<vmem>> -> memref<50x64xf32, #tpu.memory_space<vmem>>
      %dma_wait3A_798 = arith.constant 0 : i32
      %dma_wait3A_799 = tpu.memref_slice %arg6[%dma_wait3A_792, %dma_wait3A_798] : memref<16x50xi32, #tpu.memory_space<vmem>> -> memref<1x50xi32, #tpu.memory_space<vmem>>
      %dma_wait3A_800 = tpu.memref_squeeze %dma_wait3A_799 : memref<1x50xi32, #tpu.memory_space<vmem>> -> memref<50xi32, #tpu.memory_space<vmem>>
      %dma_wait3A_801 = arith.constant 0 : i32
      %dma_wait3A_802 = arith.constant 0 : i32
      %dma_wait3A_803 = tpu.memref_slice %arg3[%dma_wait3A_801, %dma_wait3A_802] : memref<1000000x64xf32, #tpu.memory_space<hbm>> -> memref<1000000x64xf32, #tpu.memory_space<hbm>>
      tpu.wait_indirect_dma semaphore(%arg10 : memref<!tpu.dma_semaphore, #tpu.memory_space<semaphore_mem>>) src(%dma_wait3A_803 : memref<1000000x64xf32, #tpu.memory_space<hbm>>) dst(%dma_wait3A_797 : memref<50x64xf32, #tpu.memory_space<vmem>>)
      %dma_wait3A_804 = arith.constant 15 : i32
      %dma_wait3A_805 = arith.constant 15 : i32
      %dma_wait3A_806 = arith.constant 0 : i32
      %dma_wait3A_807 = arith.constant 0 : i32
      %dma_wait3A_808 = tpu.memref_slice %arg8[%dma_wait3A_805, %dma_wait3A_806, %dma_wait3A_807] : memref<16x50x64xf32, #tpu.memory_space<vmem>> -> memref<1x50x64xf32, #tpu.memory_space<vmem>>
      %dma_wait3A_809 = tpu.memref_squeeze %dma_wait3A_808 : memref<1x50x64xf32, #tpu.memory_space<vmem>> -> memref<50x64xf32, #tpu.memory_space<vmem>>
      %dma_wait3A_810 = arith.constant 0 : i32
      %dma_wait3A_811 = tpu.memref_slice %arg6[%dma_wait3A_804, %dma_wait3A_810] : memref<16x50xi32, #tpu.memory_space<vmem>> -> memref<1x50xi32, #tpu.memory_space<vmem>>
      %dma_wait3A_812 = tpu.memref_squeeze %dma_wait3A_811 : memref<1x50xi32, #tpu.memory_space<vmem>> -> memref<50xi32, #tpu.memory_space<vmem>>
      %dma_wait3A_813 = arith.constant 0 : i32
      %dma_wait3A_814 = arith.constant 0 : i32
      %dma_wait3A_815 = tpu.memref_slice %arg3[%dma_wait3A_813, %dma_wait3A_814] : memref<1000000x64xf32, #tpu.memory_space<hbm>> -> memref<1000000x64xf32, #tpu.memory_space<hbm>>
      tpu.wait_indirect_dma semaphore(%arg10 : memref<!tpu.dma_semaphore, #tpu.memory_space<semaphore_mem>>) src(%dma_wait3A_815 : memref<1000000x64xf32, #tpu.memory_space<hbm>>) dst(%dma_wait3A_809 : memref<50x64xf32, #tpu.memory_space<vmem>>)
      %dma_start3A_816 = arith.constant 0 : i32
      %dma_start3A_817 = arith.constant 0 : i32
      %dma_start3A_818 = tpu.memref_slice %arg4[%add3A_426, %dma_start3A_816, %dma_start3A_817] : memref<16384x50x64xf32, #tpu.memory_space<hbm>> -> memref<16x50x64xf32, #tpu.memory_space<hbm>>
      %dma_start3A_819 = arith.constant 0 : i32
      %dma_start3A_820 = arith.constant 0 : i32
      %dma_start3A_821 = tpu.memref_slice %arg4[%add3A_426, %dma_start3A_819, %dma_start3A_820] : memref<16384x50x64xf32, #tpu.memory_space<hbm>> -> memref<16x50x64xf32, #tpu.memory_space<hbm>>
      tpu.enqueue_dma source(%arg8 : memref<16x50x64xf32, #tpu.memory_space<vmem>>) target(%dma_start3A_821 : memref<16x50x64xf32, #tpu.memory_space<hbm>>) target_semaphore(%arg12 : memref<!tpu.dma_semaphore, #tpu.memory_space<semaphore_mem>>)
    }
    %scan3A_7 = arith.constant 16 : i32
    %add3A_8 = arith.constant 480 : i32
    %add3A_9 = arith.addi %mul3A_2, %add3A_8 : i32
    %dma_wait3A = arith.constant 0 : i32
    %dma_wait3A_10 = arith.constant 0 : i32
    %dma_wait3A_11 = tpu.memref_slice %arg4[%add3A_9, %dma_wait3A, %dma_wait3A_10] : memref<16384x50x64xf32, #tpu.memory_space<hbm>> -> memref<16x50x64xf32, #tpu.memory_space<hbm>>
    %dma_wait3A_12 = arith.constant 0 : i32
    %dma_wait3A_13 = arith.constant 0 : i32
    %dma_wait3A_14 = tpu.memref_slice %arg4[%add3A_9, %dma_wait3A_12, %dma_wait3A_13] : memref<16384x50x64xf32, #tpu.memory_space<hbm>> -> memref<16x50x64xf32, #tpu.memory_space<hbm>>
    tpu.wait_dma2 semaphore(%arg11 : memref<!tpu.dma_semaphore, #tpu.memory_space<semaphore_mem>>) src(%arg7 : memref<16x50x64xf32, #tpu.memory_space<vmem>>) dst(%dma_wait3A_14 : memref<16x50x64xf32, #tpu.memory_space<hbm>>)
    %add3A_15 = arith.constant 16 : i32
    %add3A_16 = arith.addi %add3A_9, %add3A_15 : i32
    %dma_wait3A_17 = arith.constant 0 : i32
    %dma_wait3A_18 = arith.constant 0 : i32
    %dma_wait3A_19 = tpu.memref_slice %arg4[%add3A_16, %dma_wait3A_17, %dma_wait3A_18] : memref<16384x50x64xf32, #tpu.memory_space<hbm>> -> memref<16x50x64xf32, #tpu.memory_space<hbm>>
    %dma_wait3A_20 = arith.constant 0 : i32
    %dma_wait3A_21 = arith.constant 0 : i32
    %dma_wait3A_22 = tpu.memref_slice %arg4[%add3A_16, %dma_wait3A_20, %dma_wait3A_21] : memref<16384x50x64xf32, #tpu.memory_space<hbm>> -> memref<16x50x64xf32, #tpu.memory_space<hbm>>
    tpu.wait_dma2 semaphore(%arg12 : memref<!tpu.dma_semaphore, #tpu.memory_space<semaphore_mem>>) src(%arg8 : memref<16x50x64xf32, #tpu.memory_space<vmem>>) dst(%dma_wait3A_22 : memref<16x50x64xf32, #tpu.memory_space<hbm>>)
    return
  }
}

</mosaic_0001>

<sc_bundles>
// kernel: kernel.3.cloned.1.call-start
scs
__scs_entry_jumppad:
0x0: {  	(pc) =	sbr.rel $0x88, $3  }
0x1: {  	(tag) =	ssettag $0x0;
	lr =	simm.s32 $0x1  }
0x2: {  	[smem:$0x3F9F] =	sst lr;
	_ =	strace $0xD0000000  }
0x3: {  	_ = 	snop  }
0x4: {  	_ = 	snop  }
0x5: {  	_ = 	snop  }
0x6: {  	_ = 	snop  }
0x7: {  	_ = 	snop  }
__scs_overlays_trampoline_lowered:
0x8: {  	[smem:$0x3FAE] =	sst s0  }
0x9: {  	[smem:$0x3FAF] =	sst s1  }
0xa: {  	[smem:$0x3FB0] =	sst s2  }
0xb: {  	[smem:$0x3FB1] =	sst s3  }
0xc: {  	[smem:$0x3FB2] =	sst s4  }
0xd: {  	[smem:$0x3FB3] =	sst s5  }
0xe: {  	[smem:$0x3FB4] =	sst s6  }
0xf: {  	[smem:$0x3FB5] =	sst s7  }
0x10: {  	[smem:$0x3FB6] =	sst s8  }
0x11: {  	[smem:$0x3FB7] =	sst s9;
	s0 =	simm.s32 @!p0 $0x0  }
0x12: {  	s1 =	sld [smem:$0x3F9D];
	s0 =	simm.s32 @p0 $0x1  }
0x13: {  	[smem:$0x3FB8] =	sst s0;
	s0 =	simm.s32 @!p1 $0x0  }
0x14: {  	s2 =	sld [smem:$0x3F9C];
	s0 =	simm.s32 @p1 $0x1  }
0x15: {  	[smem:$0x3FB9] =	sst s0;
	s0 =	simm.s32 @!p2 $0x0  }
0x16: {  	s3 =	sld [smem:$0x3FDB];
	s0 =	simm.s32 @p2 $0x1  }
0x17: {  	s4 =	simm.s32 $0x1BF5;
	[smem:$0x3FBB] =	sst s0  }
0x18: {  	s0 =	sld [smem:$0x3F9E];
	_ =	swait.ge [sflag:s4], $0x0  }
0x19: {  	s7 =	sld [smem:$0x3F9F]  }
0x1a: {  	s8 =	sadd.s32 $0xFFFFE003, lr  }
0x1b: {  	s9 =	sadd.s32 $0xFFFFFEF7, lr;
	s5 =	simm.s32 $0xFFFFFFFF;
	p2 =	slt.u32 s8, $0xFFFFF086  }
0x1c: {  	p1 =	slt.u32 s9, $0xF7A;
	s5 =	simm.s32 @!p2 $0x0  }
0x1d: {  	s5 =	simm.s32 @p1 $0x1;
	p0 =	seq.s32 s7, s2  }
0x1e: {  	s7 =	smul.u32 @!p0 $0xF7A, s2;
	p2 =	seq.s32 @!p0 s5, $0x0  }
0x1f: {  	s9 =	smul.u32 $0xF7A, s1;
	s8 =	simm.s32 @!p0 $0x1BF5;
	p2 =	por !p2, p0  }
0x20: {  	[sflag:s8] =	ssyncset.s32 @!p0 $0xFFFFF086;
	s6 =	sadd.s32 @!p0 s3, s7;
	s7 =	simm.s32 @!p0 $0x108  }
0x21: {  	s3 =	sadd.s32 s3, s9;
	s6 =	sadd.s32 @!p0 $0x88, s6;
	s7 =	simm.s32 @p2 $0x1082  }
0x22: {  	[simem:s7], [sflag:s8] =	dma.local @!p0 [hbm:s6], $0xF7A  }
0x23: {  	s9 =	sor.u32 $0xD0000000, s2;
	s6 =	simm.s32 $0x108;
	_ =	swait.ge @!p0 [sflag:s8], $0x0  }
0x24: {  	s3 =	sadd.s32 $0x88, s3;
	s6 =	simm.s32 @!p1 $0x1082;
	[sflag:s4] =	ssyncset.s32 $0xFFFFF086  }
0x25: {  	[simem:s6], [sflag:s4] =	dma.local [hbm:s3], $0xF7A  }
0x26: {  	[smem:$0x3F9F] =	sst s1;
	(tag) =	ssettag s2;
	_ =	strace s9  }
0x27: {  	s1 =	sld [smem:$0x3FAF]  }
0x28: {  	s2 =	sld [smem:$0x3FB0]  }
0x29: {  	s4 =	sld [smem:$0x3FB2]  }
0x2a: {  	p0 =	seq.s32 s5, $0x0;
	s5 =	sld [smem:$0x3FB3]  }
0x2b: {  	s6 =	sld [smem:$0x3FB4]  }
0x2c: {  	s7 =	sld [smem:$0x3FB5]  }
0x2d: {  	s3 =	simm.s32 $0x108;
	s8 =	sld [smem:$0x3FB6]  }
0x2e: {  	s3 =	simm.s32 @!p0 $0x1082;
	s9 =	sld [smem:$0x3FB7]  }
0x2f: {  	lr =	sadd.s32 s0, s3;
	s0 =	sld [smem:$0x3FAE]  }
0x30: {  	s3 =	sld [smem:$0x3FB1]  }
0x31: {  	[smem:$0x3FBA] =	sst s10  }
0x32: {  	s10 =	sld [smem:$0x3FB8];
	_ =	sdelay $0x3  }
0x33: {  	p0 =	seq.s32 s10, $0x1;
	s10 =	sld [smem:$0x3FBA];
	_ =	sdelay $0x3  }
0x34: {  	[smem:$0x3FBA] =	sst s10  }
0x35: {  	s10 =	sld [smem:$0x3FB9];
	_ =	sdelay $0x3  }
0x36: {  	p1 =	seq.s32 s10, $0x1;
	s10 =	sld [smem:$0x3FBA];
	_ =	sdelay $0x3  }
0x37: {  	[smem:$0x3FBA] =	sst s10  }
0x38: {  	s10 =	sld [smem:$0x3FBB]  }
0x39: {  	_ = 	snop;
	(pc) =	sbr.ind lr, $3  }
0x3a: {  	_ = 	snop  }
0x3b: {  	_ = 	snop  }
0x3c: {  	p2 =	seq.s32 s10, $0x1;
	s10 =	sld [smem:$0x3FBA]  }
0x3d: {  	_ =	shalt  }
0x3e: {  	_ =	shalt  }
0x3f: {  	_ =	shalt  }
0x40: {  	_ =	shalt  }
0x41: {  	_ =	shalt  }
0x42: {  	_ =	shalt  }
0x43: {  	_ =	shalt  }
0x44: {  	_ =	shalt  }
0x45: {  	_ =	shalt  }
0x46: {  	_ =	shalt  }
0x47: {  	_ =	shalt  }
0x48: {  	_ =	shalt  }
0x49: {  	_ =	shalt  }
0x4a: {  	_ =	shalt  }
0x4b: {  	_ =	shalt  }
0x4c: {  	_ =	shalt  }
0x4d: {  	_ =	shalt  }
0x4e: {  	_ =	shalt  }
0x4f: {  	_ =	shalt  }
0x50: {  	_ =	shalt  }
0x51: {  	_ =	shalt  }
0x52: {  	_ =	shalt  }
0x53: {  	_ =	shalt  }
0x54: {  	_ =	shalt  }
0x55: {  	_ =	shalt  }
0x56: {  	_ =	shalt  }
0x57: {  	_ =	shalt  }
0x58: {  	_ =	shalt  }
0x59: {  	_ =	shalt  }
0x5a: {  	_ =	shalt  }
0x5b: {  	_ =	shalt  }
0x5c: {  	_ =	shalt  }
0x5d: {  	_ =	shalt  }
0x5e: {  	_ =	shalt  }
0x5f: {  	_ =	shalt  }
0x60: {  	_ =	shalt  }
0x61: {  	_ =	shalt  }
0x62: {  	_ =	shalt  }
0x63: {  	_ =	shalt  }
0x64: {  	_ =	shalt  }
0x65: {  	_ =	shalt  }
0x66: {  	_ =	shalt  }
0x67: {  	_ =	shalt  }
0x68: {  	_ =	shalt  }
0x69: {  	_ =	shalt  }
0x6a: {  	_ =	shalt  }
0x6b: {  	_ =	shalt  }
0x6c: {  	_ =	shalt  }
0x6d: {  	_ =	shalt  }
0x6e: {  	_ =	shalt  }
0x6f: {  	_ =	shalt  }
0x70: {  	_ =	shalt  }
0x71: {  	_ =	shalt  }
0x72: {  	_ =	shalt  }
0x73: {  	_ =	shalt  }
0x74: {  	_ =	shalt  }
0x75: {  	_ =	shalt  }
0x76: {  	_ =	shalt  }
0x77: {  	_ =	shalt  }
0x78: {  	_ =	shalt  }
0x79: {  	_ =	shalt  }
0x7a: {  	_ =	shalt  }
0x7b: {  	_ =	shalt  }
0x7c: {  	_ =	shalt  }
0x7d: {  	_ =	shalt  }
0x7e: {  	_ =	shalt  }
0x7f: {  	_ =	shalt  }
0x80: {  	_ =	shalt  }
0x81: {  	_ =	shalt  }
0x82: {  	_ =	shalt  }
0x83: {  	_ =	shalt  }
0x84: {  	_ =	shalt  }
0x85: {  	_ =	shalt  }
0x86: {  	_ =	shalt  }
0x87: {  	_ =	shalt  }
.Lfunc_end0:
.L_simem_size_0:
called_computation.1_lowered:
.L_overlay_start_0:
0x88: {  	s2 =	sld [smem:$0x3FD9]  }
0x89: {  	s3 =	sld [smem:$0x3FFE];
	_ =	sdelay $0x1  }
0x8a: {  	s1 =	srdreg.scid  }
0x8b: {  	s0 =	sand.u32 $0x1, s1  }
0x8c: {  	s17 =	sshll.u32 s0, $0xA;
	s2 =	sadd.s32 s3, s2  }
0x8d: {  	s2 =	sadd.s32 s2, s17  }
0x8e: {  	[smem:$0x3FC6] =	sst s2  }
0x8f: {  	_ = 	snop  }
0x90: {  	s2 =	sld [smem:$0x3FD0];
	(tm) =	ssettm $0x1  }
0x91: {  	s18 =	sld [smem:$0x3FFB];
	_ =	sdelay $0x3  }
0x92: {  	_ =	strace s18  }
0x93: {  	s3 =	sld [smem:$0x3FFC];
	_ =	sdelay $0x3  }
0x94: {  	_ =	strace s3  }
0x95: {  	s3 =	sld [smem:$0x3FFD];
	_ =	sdelay $0x3  }
0x96: {  	_ =	strace s3  }
0x97: {  	_ =	strace $0x8FFFFFFF  }
0x98: {  	s19 =	sld [smem:$0x3FDB];
	_ =	sdelay $0x1  }
0x99: {  	s4 =	simm.s32 $_scs_section_size  }
0x9a: {  	s5 =	simm.s32 $_size__tile_overlayer_lowered;
	s6 =	simm.s32 $_tile_overlayer_lowered  }
0x9b: {  	s22 =	simm.s32 $0x1BFF;
	s21 =	sshll.u32 s6, $0x1;
	s3 =	sadd.s32 s4, s19  }
0x9c: {  	s7 =	simm.s32 $0x0;
	s20 =	sshll.u32 s5, $0x1;
	s5 =	sadd.s32 s21, s3  }
0x9d: {  	[timem:s7], [sflag:s22] =	dma.local [hbm:s5], s20  }
0x9e: {  	_ =	swait.ge [sflag:s22], s20  }
0x9f: {  	s4 =	ssub.s32 $0x0, s20;
	[sflag:s22] =	ssyncset.done $0x0  }
0xa0: {  	[sflag:s22] =	ssyncadd.s32 s4;
	_ =	sdelay $0x1  }
0xa1: {  	s23 =	simm.s32 $0x1B8B  }
0xa2: {  	_ =	swait.ge [sflag:s23], $0x1  }
0xa3: {  	[sflag:s23] =	ssyncset.done $0x0  }
0xa4: {  	s25 =	simm.s32 $0x1B8E;
	s24 =	sld [smem:$0x3FFE];
	[sflag:s23] =	ssyncadd.s32 $0xFFFFFFFF  }
0xa5: {  	s26 =	simm.s32 $execute0_lowered;
	[smem:$0x3FD2] =	sst s25  }
0xa6: {  	s5 =	sshll.u32 s26, $0x1;
	_ =	strace $0x80000046;
	[dreg:$0x1] =	wrdreg $0xFFFFFFFF  }
0xa7: {  	s28 =	simm.s32 $_size_execute0_lowered;
	s3 =	sadd.s32 s3, s5;
	[dreg:$0x0] =	wrdreg $0x0  }
0xa8: {  	s5 =	sshll.u32 s28, $0x1;
	[dreg:$0x2] =	wrdreg s3  }
0xa9: {  	[dreg:$0x3] =	wrdreg s5  }
0xaa: {  	[dreg:$0x4] =	wrdreg $0xC0  }
0xab: {  	_ =	task [dreg:s7], $0x5FFFF  }
0xac: {  	[dreg:$0x1] =	wrdreg $0xFFFFFFFF  }
0xad: {  	[dreg:$0x0] =	wrdreg $0x60  }
0xae: {  	[dreg:$0x2] =	wrdreg s24  }
0xaf: {  	[dreg:$0x3] =	wrdreg s2  }
0xb0: {  	[dreg:$0x4] =	wrdreg $0x9  }
0xb1: {  	_ =	task.clear_ibuf [dreg:s7], $0x5FFFF;
	_ =	strace $0x90000046  }
0xb2: {  	s29 =	simm.s32 $0x9;
	_ =	strace $0x80000048  }
0xb3: {  	_ =	swait.ge [sflag:s29], $0x1  }
0xb4: {  	[sflag:s29] =	ssyncadd.s32 $0xFFFFFFFF  }
0xb5: {  	_ =	strace $0x90000048  }
0xb6: {  	_ =	sfence  }
0xb7: {  	s30 =	sld [smem:$0x0];
	_ =	sdelay $0x2  }
0xb8: {  	s31 =	sshll.u32 s1, $0xD;
	s1 =	sshrl.u32 s1, $0x2  }
0xb9: {  	s3 =	sand.u32 $0x4000, s31;
	s1 =	sadd.s32 s1, s30  }
0xba: {  	s0 =	sor.u32 s3, s0;
	s1 =	sshll.u32 s1, $0x11  }
0xbb: {  	s0 =	sor.u32 s1, s0  }
0xbc: {  	s0 =	sadd.s32 $0x8F2B, s0  }
0xbd: {  	[sflag:s0] =	ssyncadd.remote.s32 $0x1  }
0xbe: {  	_ =	sfence.sel $0xFFFF  }
0xbf: {  	[dreg:$0x0] =	wrdreg $0xFFFFFFFF;
	(pc) =	sbr.abs _section_cstart, $3  }
0xc0: {  	[dreg:$0x1] =	wrdreg $0xFFFFFFFF  }
0xc1: {  	_ =	task.clear_ibuf [dreg:s7], $0x2FFFF;
	_ =	strace $0x9FFFFFFF  }
0xc2: {  	(tm) =	ssettm $0x7FFFFFFF  }
0xc3: {  	_ =	shalt  }
tec
execute0_lowered:
.L_overlay_start_1:
0x0: {  	(tag) =	ssettag $0x1  }
0x1: {  	s0 =	srdreg.scid;
	s3 =	rddreg [dreg:$0x0]  }
0x2: {  	s2 =	simm.s32 $0x0;
	s1 =	sand.u32 $0x1, s0;
	s0 =	rddreg [dreg:$0x1]  }
0x3: {  	s8 =	simm.s32 $0x38;
	[smem:$0x7FF] =	sst s2  }
0x4: {  	s9 =	simm.s32 $0x1380;
	_ =	strace $0x80000047;
	[dreg:$0x4] =	wrdreg s8  }
0x5: {  	s10 =	simm.s32 $0x70;
	[dreg:$0x5] =	wrdreg s9  }
0x6: {  	s11 =	simm.s32 $0x2000;
	[dreg:$0x6] =	wrdreg s10  }
0x7: {  	s12 =	simm.s32 $0xA8;
	[dreg:$0x7] =	wrdreg s11  }
0x8: {  	s13 =	simm.s32 $0x2C80;
	[dreg:$0x8] =	wrdreg s12  }
0x9: {  	s14 =	simm.s32 $0xE0;
	[dreg:$0x9] =	wrdreg s13  }
0xa: {  	s15 =	simm.s32 $0x3900;
	[dreg:$0xa] =	wrdreg s14  }
0xb: {  	s16 =	simm.s32 $0x118;
	[dreg:$0xb] =	wrdreg s15  }
0xc: {  	s17 =	simm.s32 $0x4580;
	[dreg:$0xc] =	wrdreg s16  }
0xd: {  	s18 =	simm.s32 $0x150;
	[dreg:$0xd] =	wrdreg s17  }
0xe: {  	s19 =	simm.s32 $0x5200;
	[dreg:$0xe] =	wrdreg s18  }
0xf: {  	s20 =	simm.s32 $0x188;
	[dreg:$0xf] =	wrdreg s19  }
0x10: {  	s21 =	simm.s32 $0x5E80;
	[dreg:$0x10] =	wrdreg s20  }
0x11: {  	s22 =	simm.s32 $0x1C0;
	[dreg:$0x11] =	wrdreg s21  }
0x12: {  	s23 =	simm.s32 $0x6B00;
	[dreg:$0x12] =	wrdreg s22  }
0x13: {  	s24 =	simm.s32 $0x1F8;
	[dreg:$0x13] =	wrdreg s23  }
0x14: {  	s25 =	simm.s32 $0x7780;
	[dreg:$0x14] =	wrdreg s24  }
0x15: {  	s26 =	simm.s32 $0x230;
	[dreg:$0x15] =	wrdreg s25  }
0x16: {  	s28 =	simm.s32 $0x8400;
	[dreg:$0x16] =	wrdreg s26  }
0x17: {  	s29 =	simm.s32 $0x268;
	[dreg:$0x17] =	wrdreg s28  }
0x18: {  	s30 =	simm.s32 $0x9080;
	[dreg:$0x18] =	wrdreg s29  }
0x19: {  	s31 =	simm.s32 $0x2A0;
	[dreg:$0x19] =	wrdreg s30  }
0x1a: {  	s6 =	simm.s32 $0x2D8;
	[dreg:$0x1a] =	wrdreg s31  }
0x1b: {  	[dreg:$0x1c] =	wrdreg s6;
	s8 =	simm.s32 $0xA980  }
0x1c: {  	s9 =	simm.s32 $0x310;
	[dreg:$0x1d] =	wrdreg s8  }
0x1d: {  	s10 =	simm.s32 $0xB600;
	[dreg:$0x1e] =	wrdreg s9  }
0x1e: {  	s11 =	simm.s32 $0x348;
	[dreg:$0x1f] =	wrdreg s10  }
0x1f: {  	s12 =	simm.s32 $0xC280;
	[smem:$0x7EA] =	sst s11  }
0x20: {  	s13 =	simm.s32 $0x3B8;
	[smem:$0x7EB] =	sst s12  }
0x21: {  	s14 =	simm.s32 $0xDB80;
	[smem:$0x7EC] =	sst s13  }
0x22: {  	s7 =	stileid.u32;
	s15 =	simm.s32 $0x3F0;
	[smem:$0x7ED] =	sst s14  }
0x23: {  	s4 =	smul.u32 $0x1C00, s7;
	s17 =	simm.s32 $0xE800;
	[smem:$0x7EE] =	sst s15  }
0x24: {  	s5 =	smul.u32 $0xE00, s1;
	s18 =	simm.s32 $0x428;
	[smem:$0x7EF] =	sst s17  }
0x25: {  	s16 =	ssub.s32 $0x2, s1;
	s19 =	simm.s32 $0xF480;
	[smem:$0x7F0] =	sst s18  }
0x26: {  	s20 =	simm.s32 $0x460;
	s21 =	smul.u32 $0x64000, s7;
	[smem:$0x7F2] =	sst s19  }
0x27: {  	s22 =	simm.s32 $0x10100;
	s1 =	smul.u32 $0x32000, s1;
	[smem:$0x7F3] =	sst s20  }
0x28: {  	s23 =	simm.s32 $0x498;
	s24 =	simm.s32 $0x10D80;
	[smem:$0x7F4] =	sst s22  }
0x29: {  	s25 =	simm.s32 $0x4D0;
	s26 =	simm.s32 $0x11A00;
	[smem:$0x7F5] =	sst s23  }
0x2a: {  	s28 =	simm.s32 $0x508;
	s7 =	simm.s32 $0x32;
	[smem:$0x7F6] =	sst s24  }
0x2b: {  	s29 =	simm.s32 $0x12680;
	s30 =	simm.s32 $0x540;
	[smem:$0x7F8] =	sst s25  }
0x2c: {  	s31 =	simm.s32 $0x13300;
	s4 =	sadd.s32 s4, s3;
	[smem:$0x7F9] =	sst s26  }
0x2d: {  	s3 =	sadd.s32 $0xF42E00, s3;
	s6 =	sshrl.u32 s16, $0x1;
	[smem:$0x7FA] =	sst s28  }
0x2e: {  	s8 =	simm.s32 $0x700;
	[smem:$0x7FB] =	sst s29;
	s9 =	simm.s32 $0x1  }
0x2f: {  	[smem:$0x7FC] =	sst s30;
	s10 =	simm.s32 $0x380;
	s11 =	simm.s32 $0xCF00  }
0x30: {  	[smem:$0x7FD] =	sst s31;
	s12 =	simm.s32 $0x578;
	s13 =	simm.s32 $0x13F80  }
0x31: {  	s14 =	simm.s32 $0x5B0;
	s15 =	simm.s32 $0x14C00;
	s17 =	simm.s32 $0x15880  }
0x32: {  	s18 =	simm.s32 $0x620;
	s19 =	simm.s32 $0x16500;
	s20 =	simm.s32 $0x658  }
0x33: {  	s22 =	simm.s32 $0x690;
	s23 =	simm.s32 $0x17E00;
	s24 =	simm.s32 $0x6C8  }
0x34: {  	s25 =	simm.s32 $0x18A80;
	s26 =	simm.s32 $0x2;
	s4 =	sadd.s32 s5, s4  }
0x35: {  	s5 =	simm.s32 $0x9D00;
	s0 =	sadd.s32 s21, s0;
	s21 =	simm.s32 $0x17180  }
0x36: {  	s4 =	sadd.s32 $0xA00, s4;
	[dreg:$0x1b] =	wrdreg s5;
	s5 =	ssub.s32 s16, s6  }
0x37: {  	s0 =	sadd.s32 s1, s0;
	[dreg:$0x3] =	wrdreg s4;
	s5 =	smax.u32 s5, $0x1  }
0x38: {  	s6 =	simm.s32 $0x5;
	s0 =	sadd.s32 $0x1900, s0;
	[smem:$0x7F1] =	sst s5  }
0x39: {  	s16 =	simm.s32 $0x5E8;
	s4 =	simm.s32 $0x0;
	[smem:$0x7F7] =	sst s0  }
.LBB2_1:
0x3a: {  	s1 =	rddreg [dreg:$0x3]  }
0x3b: {  	[smem:$0x7E9] =	sst s4;
	s1 =	sadd.s32 $0x0, s1  }
0x3c: {  	[tilespmem:s2], [sflag:$0x5] =	stream.linear.gather [hbm4b:s1+s2], $0x380, $0x38;
	[tilespmem:$0x19700] =	vst v63  }
0x3d: {  	_ =	swait.ge [sflag:s6], $0x380  }
0x3e: {  	p0 =	por $0x1, $0x1;
	[sflag:s6] =	ssyncset.done $0x0  }
0x3f: {  	s4 =	simm.s32 @!p0 $0x3;
	[sflag:s6] =	ssyncadd.s32 $0xFFFFFC80  }
0x40: {  	_ =	swait.ge @!p0 [sflag:s4], $0xC800  }
0x41: {  	s5 =	rddreg [dreg:$0x6]  }
0x42: {  	s28 =	rddreg [dreg:$0x4]  }
0x43: {  	[sflag:s4] =	ssyncset.done @!p0 $0x0;
	s0 =	rddreg [dreg:$0x5]  }
0x44: {  	s29 =	rddreg [dreg:$0x7];
	[sflag:s4] =	ssyncadd.s32 @!p0 $0xFFFF3800  }
0x45: {  	[tilespmem:s8], [sflag:$0x1] =	stream.indirect.gather [hbm4b:s3+s7], $0x40, s2, s7, $0xb8;
	[tilespmem:$0x19700] =	vst v63  }
0x46: {  	s30 =	rddreg [dreg:$0x9]  }
0x47: {  	[tilespmem:s0], [sflag:$0x1] =	stream.indirect.gather [hbm4b:s3+s7], $0x40, s28, s7, $0xb8;
	[tilespmem:$0x19700] =	vst v63  }
0x48: {  	s0 =	rddreg [dreg:$0x8]  }
0x49: {  	[tilespmem:s29], [sflag:$0x1] =	stream.indirect.gather [hbm4b:s3+s7], $0x40, s5, s7, $0xb8;
	[tilespmem:$0x19700] =	vst v63  }
0x4a: {  	s5 =	rddreg [dreg:$0xa]  }
0x4b: {  	s29 =	rddreg [dreg:$0xb]  }
0x4c: {  	[tilespmem:s30], [sflag:$0x1] =	stream.indirect.gather [hbm4b:s3+s7], $0x40, s0, s7, $0xb8;
	[tilespmem:$0x19700] =	vst v63  }
0x4d: {  	s30 =	rddreg [dreg:$0xc]  }
0x4e: {  	s0 =	rddreg [dreg:$0xd]  }
0x4f: {  	[tilespmem:s29], [sflag:$0x1] =	stream.indirect.gather [hbm4b:s3+s7], $0x40, s5, s7, $0xb8;
	[tilespmem:$0x19700] =	vst v63  }
0x50: {  	s5 =	rddreg [dreg:$0xf]  }
0x51: {  	s29 =	rddreg [dreg:$0xe]  }
0x52: {  	[tilespmem:s0], [sflag:$0x1] =	stream.indirect.gather [hbm4b:s3+s7], $0x40, s30, s7, $0xb8;
	[tilespmem:$0x19700] =	vst v63  }
0x53: {  	s30 =	rddreg [dreg:$0x11]  }
0x54: {  	s0 =	rddreg [dreg:$0x10]  }
0x55: {  	[tilespmem:s5], [sflag:$0x1] =	stream.indirect.gather [hbm4b:s3+s7], $0x40, s29, s7, $0xb8;
	[tilespmem:$0x19700] =	vst v63  }
0x56: {  	s5 =	rddreg [dreg:$0x13]  }
0x57: {  	s29 =	rddreg [dreg:$0x12]  }
0x58: {  	[tilespmem:s30], [sflag:$0x1] =	stream.indirect.gather [hbm4b:s3+s7], $0x40, s0, s7, $0xb8;
	[tilespmem:$0x19700] =	vst v63  }
0x59: {  	s30 =	rddreg [dreg:$0x15]  }
0x5a: {  	s0 =	rddreg [dreg:$0x14]  }
0x5b: {  	[tilespmem:s5], [sflag:$0x1] =	stream.indirect.gather [hbm4b:s3+s7], $0x40, s29, s7, $0xb8;
	[tilespmem:$0x19700] =	vst v63  }
0x5c: {  	s5 =	rddreg [dreg:$0x17]  }
0x5d: {  	s29 =	rddreg [dreg:$0x16]  }
0x5e: {  	[tilespmem:s30], [sflag:$0x1] =	stream.indirect.gather [hbm4b:s3+s7], $0x40, s0, s7, $0xb8;
	[tilespmem:$0x19700] =	vst v63  }
0x5f: {  	s30 =	rddreg [dreg:$0x19]  }
0x60: {  	s0 =	rddreg [dreg:$0x18]  }
0x61: {  	[tilespmem:s5], [sflag:$0x1] =	stream.indirect.gather [hbm4b:s3+s7], $0x40, s29, s7, $0xb8;
	[tilespmem:$0x19700] =	vst v63  }
0x62: {  	s5 =	rddreg [dreg:$0x1b]  }
0x63: {  	s29 =	rddreg [dreg:$0x1a]  }
0x64: {  	[tilespmem:s30], [sflag:$0x1] =	stream.indirect.gather [hbm4b:s3+s7], $0x40, s0, s7, $0xb8;
	[tilespmem:$0x19700] =	vst v63  }
0x65: {  	s30 =	rddreg [dreg:$0x1d]  }
0x66: {  	s0 =	rddreg [dreg:$0x1c]  }
0x67: {  	[tilespmem:s5], [sflag:$0x1] =	stream.indirect.gather [hbm4b:s3+s7], $0x40, s29, s7, $0xb8;
	[tilespmem:$0x19700] =	vst v63  }
0x68: {  	s5 =	rddreg [dreg:$0x1f]  }
0x69: {  	s29 =	rddreg [dreg:$0x1e]  }
0x6a: {  	[tilespmem:s30], [sflag:$0x1] =	stream.indirect.gather [hbm4b:s3+s7], $0x40, s0, s7, $0xb8;
	[tilespmem:$0x19700] =	vst v63  }
0x6b: {  	s30 =	sld [smem:$0x7EB]  }
0x6c: {  	s0 =	sld [smem:$0x7EA]  }
0x6d: {  	[tilespmem:s5], [sflag:$0x1] =	stream.indirect.gather [hbm4b:s3+s7], $0x40, s29, s7, $0xb8;
	[tilespmem:$0x19700] =	vst v63  }
0x6e: {  	_ = 	snop  }
0x6f: {  	[tilespmem:s30], [sflag:$0x1] =	stream.indirect.gather [hbm4b:s3+s7], $0x40, s0, s7, $0xb8;
	[tilespmem:$0x19700] =	vst v63  }
0x70: {  	_ =	swait.ge [sflag:s9], $0xC80  }
0x71: {  	[sflag:s9] =	ssyncset.done $0x0  }
0x72: {  	[sflag:s9] =	ssyncadd.s32 $0xFFFFF380  }
0x73: {  	_ =	swait.ge [sflag:s9], $0xC80  }
0x74: {  	[sflag:s9] =	ssyncset.done $0x0  }
0x75: {  	[sflag:s9] =	ssyncadd.s32 $0xFFFFF380  }
0x76: {  	_ =	swait.ge [sflag:s9], $0xC80  }
0x77: {  	[sflag:s9] =	ssyncset.done $0x0  }
0x78: {  	[sflag:s9] =	ssyncadd.s32 $0xFFFFF380  }
0x79: {  	_ =	swait.ge [sflag:s9], $0xC80  }
0x7a: {  	[sflag:s9] =	ssyncset.done $0x0  }
0x7b: {  	[sflag:s9] =	ssyncadd.s32 $0xFFFFF380  }
0x7c: {  	_ =	swait.ge [sflag:s9], $0xC80  }
0x7d: {  	[sflag:s9] =	ssyncset.done $0x0  }
0x7e: {  	[sflag:s9] =	ssyncadd.s32 $0xFFFFF380  }
0x7f: {  	_ =	swait.ge [sflag:s9], $0xC80  }
0x80: {  	[sflag:s9] =	ssyncset.done $0x0  }
0x81: {  	[sflag:s9] =	ssyncadd.s32 $0xFFFFF380  }
0x82: {  	_ =	swait.ge [sflag:s9], $0xC80  }
0x83: {  	[sflag:s9] =	ssyncset.done $0x0  }
0x84: {  	[sflag:s9] =	ssyncadd.s32 $0xFFFFF380  }
0x85: {  	_ =	swait.ge [sflag:s9], $0xC80  }
0x86: {  	[sflag:s9] =	ssyncset.done $0x0  }
0x87: {  	[sflag:s9] =	ssyncadd.s32 $0xFFFFF380  }
0x88: {  	_ =	swait.ge [sflag:s9], $0xC80  }
0x89: {  	[sflag:s9] =	ssyncset.done $0x0  }
0x8a: {  	[sflag:s9] =	ssyncadd.s32 $0xFFFFF380  }
0x8b: {  	_ =	swait.ge [sflag:s9], $0xC80  }
0x8c: {  	[sflag:s9] =	ssyncset.done $0x0  }
0x8d: {  	[sflag:s9] =	ssyncadd.s32 $0xFFFFF380  }
0x8e: {  	_ =	swait.ge [sflag:s9], $0xC80  }
0x8f: {  	[sflag:s9] =	ssyncset.done $0x0  }
0x90: {  	[sflag:s9] =	ssyncadd.s32 $0xFFFFF380  }
0x91: {  	_ =	swait.ge [sflag:s9], $0xC80  }
0x92: {  	[sflag:s9] =	ssyncset.done $0x0  }
0x93: {  	[sflag:s9] =	ssyncadd.s32 $0xFFFFF380  }
0x94: {  	_ =	swait.ge [sflag:s9], $0xC80  }
0x95: {  	[sflag:s9] =	ssyncset.done $0x0  }
0x96: {  	[sflag:s9] =	ssyncadd.s32 $0xFFFFF380  }
0x97: {  	_ =	swait.ge [sflag:s9], $0xC80  }
0x98: {  	[sflag:s9] =	ssyncset.done $0x0  }
0x99: {  	[sflag:s9] =	ssyncadd.s32 $0xFFFFF380  }
0x9a: {  	_ =	swait.ge [sflag:s9], $0xC80  }
0x9b: {  	[sflag:s9] =	ssyncset.done $0x0  }
0x9c: {  	[sflag:s9] =	ssyncadd.s32 $0xFFFFF380  }
0x9d: {  	_ =	swait.ge [sflag:s9], $0xC80  }
0x9e: {  	s31 =	sld [smem:$0x7F7];
	_ =	sdelay $0x1  }
0x9f: {  	[sflag:s9] =	ssyncset.done $0x0  }
0xa0: {  	[sflag:s9] =	ssyncadd.s32 $0xFFFFF380;
	s30 =	sadd.s32 $0xFFFFE700, s31  }
0xa1: {  	[hbm4b:s30+s2] =	stream.linear.scatter [tilespmem:s8], [sflag:$0x3], $0xC800, $0x38;
	[tilespmem:$0x19700] =	vst v63  }
0xa2: {  	s1 =	sadd.s32 $0x70, s1  }
0xa3: {  	[tilespmem:s10], [sflag:$0x5] =	stream.linear.gather [hbm4b:s1+s2], $0x380, $0x38;
	[tilespmem:$0x19700] =	vst v63  }
0xa4: {  	_ =	swait.ge [sflag:s6], $0x380  }
0xa5: {  	[sflag:s6] =	ssyncset.done $0x0  }
0xa6: {  	s1 =	simm.s32 @!p0 $0x4;
	[sflag:s6] =	ssyncadd.s32 $0xFFFFFC80  }
0xa7: {  	_ =	swait.ge @!p0 [sflag:s1], $0xC800  }
0xa8: {  	s4 =	sld [smem:$0x7EF]  }
0xa9: {  	s0 =	sld [smem:$0x7EC]  }
0xaa: {  	[sflag:s1] =	ssyncset.done @!p0 $0x0;
	s29 =	sld [smem:$0x7ED]  }
0xab: {  	s30 =	sld [smem:$0x7EE];
	[sflag:s1] =	ssyncadd.s32 @!p0 $0xFFFF3800  }
0xac: {  	[tilespmem:s11], [sflag:$0x2] =	stream.indirect.gather [hbm4b:s3+s7], $0x40, s10, s7, $0xb8;
	[tilespmem:$0x19700] =	vst v63  }
0xad: {  	s5 =	sld [smem:$0x7F2]  }
0xae: {  	[tilespmem:s29], [sflag:$0x2] =	stream.indirect.gather [hbm4b:s3+s7], $0x40, s0, s7, $0xb8;
	[tilespmem:$0x19700] =	vst v63  }
0xaf: {  	s0 =	sld [smem:$0x7F0]  }
0xb0: {  	s29 =	sld [smem:$0x7F4]  }
0xb1: {  	[tilespmem:s4], [sflag:$0x2] =	stream.indirect.gather [hbm4b:s3+s7], $0x40, s30, s7, $0xb8;
	[tilespmem:$0x19700] =	vst v63  }
0xb2: {  	s30 =	sld [smem:$0x7F3]  }
0xb3: {  	[tilespmem:s5], [sflag:$0x2] =	stream.indirect.gather [hbm4b:s3+s7], $0x40, s0, s7, $0xb8;
	[tilespmem:$0x19700] =	vst v63  }
0xb4: {  	s5 =	sld [smem:$0x7F6]  }
0xb5: {  	s0 =	sld [smem:$0x7F5]  }
0xb6: {  	[tilespmem:s29], [sflag:$0x2] =	stream.indirect.gather [hbm4b:s3+s7], $0x40, s30, s7, $0xb8;
	[tilespmem:$0x19700] =	vst v63  }
0xb7: {  	s29 =	sld [smem:$0x7F9]  }
0xb8: {  	s30 =	sld [smem:$0x7F8]  }
0xb9: {  	[tilespmem:s5], [sflag:$0x2] =	stream.indirect.gather [hbm4b:s3+s7], $0x40, s0, s7, $0xb8;
	[tilespmem:$0x19700] =	vst v63  }
0xba: {  	s5 =	sld [smem:$0x7FB]  }
0xbb: {  	s0 =	sld [smem:$0x7FA]  }
0xbc: {  	[tilespmem:s29], [sflag:$0x2] =	stream.indirect.gather [hbm4b:s3+s7], $0x40, s30, s7, $0xb8;
	[tilespmem:$0x19700] =	vst v63  }
0xbd: {  	s29 =	sld [smem:$0x7FD]  }
0xbe: {  	s30 =	sld [smem:$0x7FC]  }
0xbf: {  	[tilespmem:s5], [sflag:$0x2] =	stream.indirect.gather [hbm4b:s3+s7], $0x40, s0, s7, $0xb8;
	[tilespmem:$0x19700] =	vst v63  }
0xc0: {  	_ = 	snop  }
0xc1: {  	[tilespmem:s29], [sflag:$0x2] =	stream.indirect.gather [hbm4b:s3+s7], $0x40, s30, s7, $0xb8;
	[tilespmem:$0x19700] =	vst v63  }
0xc2: {  	_ = 	snop  }
0xc3: {  	[tilespmem:s13], [sflag:$0x2] =	stream.indirect.gather [hbm4b:s3+s7], $0x40, s12, s7, $0xb8;
	[tilespmem:$0x19700] =	vst v63  }
0xc4: {  	_ = 	snop  }
0xc5: {  	[tilespmem:s15], [sflag:$0x2] =	stream.indirect.gather [hbm4b:s3+s7], $0x40, s14, s7, $0xb8;
	[tilespmem:$0x19700] =	vst v63  }
0xc6: {  	_ = 	snop  }
0xc7: {  	[tilespmem:s17], [sflag:$0x2] =	stream.indirect.gather [hbm4b:s3+s7], $0x40, s16, s7, $0xb8;
	[tilespmem:$0x19700] =	vst v63  }
0xc8: {  	_ = 	snop  }
0xc9: {  	[tilespmem:s19], [sflag:$0x2] =	stream.indirect.gather [hbm4b:s3+s7], $0x40, s18, s7, $0xb8;
	[tilespmem:$0x19700] =	vst v63  }
0xca: {  	_ = 	snop  }
0xcb: {  	[tilespmem:s21], [sflag:$0x2] =	stream.indirect.gather [hbm4b:s3+s7], $0x40, s20, s7, $0xb8;
	[tilespmem:$0x19700] =	vst v63  }
0xcc: {  	_ = 	snop  }
0xcd: {  	[tilespmem:s23], [sflag:$0x2] =	stream.indirect.gather [hbm4b:s3+s7], $0x40, s22, s7, $0xb8;
	[tilespmem:$0x19700] =	vst v63  }
0xce: {  	_ = 	snop  }
0xcf: {  	[tilespmem:s25], [sflag:$0x2] =	stream.indirect.gather [hbm4b:s3+s7], $0x40, s24, s7, $0xb8;
	[tilespmem:$0x19700] =	vst v63  }
0xd0: {  	_ =	swait.ge [sflag:s26], $0xC80  }
0xd1: {  	[sflag:s26] =	ssyncset.done $0x0  }
0xd2: {  	[sflag:s26] =	ssyncadd.s32 $0xFFFFF380  }
0xd3: {  	_ =	swait.ge [sflag:s26], $0xC80  }
0xd4: {  	[sflag:s26] =	ssyncset.done $0x0  }
0xd5: {  	[sflag:s26] =	ssyncadd.s32 $0xFFFFF380  }
0xd6: {  	_ =	swait.ge [sflag:s26], $0xC80  }
0xd7: {  	[sflag:s26] =	ssyncset.done $0x0  }
0xd8: {  	[sflag:s26] =	ssyncadd.s32 $0xFFFFF380  }
0xd9: {  	_ =	swait.ge [sflag:s26], $0xC80  }
0xda: {  	[sflag:s26] =	ssyncset.done $0x0  }
0xdb: {  	[sflag:s26] =	ssyncadd.s32 $0xFFFFF380  }
0xdc: {  	_ =	swait.ge [sflag:s26], $0xC80  }
0xdd: {  	[sflag:s26] =	ssyncset.done $0x0  }
0xde: {  	[sflag:s26] =	ssyncadd.s32 $0xFFFFF380  }
0xdf: {  	_ =	swait.ge [sflag:s26], $0xC80  }
0xe0: {  	[sflag:s26] =	ssyncset.done $0x0  }
0xe1: {  	[sflag:s26] =	ssyncadd.s32 $0xFFFFF380  }
0xe2: {  	_ =	swait.ge [sflag:s26], $0xC80  }
0xe3: {  	[sflag:s26] =	ssyncset.done $0x0  }
0xe4: {  	[sflag:s26] =	ssyncadd.s32 $0xFFFFF380  }
0xe5: {  	_ =	swait.ge [sflag:s26], $0xC80  }
0xe6: {  	[sflag:s26] =	ssyncset.done $0x0  }
0xe7: {  	[sflag:s26] =	ssyncadd.s32 $0xFFFFF380  }
0xe8: {  	_ =	swait.ge [sflag:s26], $0xC80  }
0xe9: {  	[sflag:s26] =	ssyncset.done $0x0  }
0xea: {  	s1 =	simm.s32 $0xE0;
	s5 =	smov.u32 s31;
	[sflag:s26] =	ssyncadd.s32 $0xFFFFF380  }
.LBB2_2:
0xeb: {  	_ =	swait.ge [sflag:s26], $0xC80  }
0xec: {  	[sflag:s26] =	ssyncset.done $0x0  }
0xed: {  	[sflag:s26] =	ssyncadd.s32 $0xFFFFF380  }
0xee: {  	_ =	swait.ge [sflag:s26], $0xC80  }
0xef: {  	[sflag:s26] =	ssyncset.done $0x0  }
0xf0: {  	[sflag:s26] =	ssyncadd.s32 $0xFFFFF380  }
0xf1: {  	_ =	swait.ge [sflag:s26], $0xC80  }
0xf2: {  	[sflag:s26] =	ssyncset.done $0x0  }
0xf3: {  	[sflag:s26] =	ssyncadd.s32 $0xFFFFF380  }
0xf4: {  	_ =	swait.ge [sflag:s26], $0xC80  }
0xf5: {  	[sflag:s26] =	ssyncset.done $0x0  }
0xf6: {  	[sflag:s26] =	ssyncadd.s32 $0xFFFFF380  }
0xf7: {  	_ =	swait.ge [sflag:s26], $0xC80  }
0xf8: {  	[sflag:s26] =	ssyncset.done $0x0  }
0xf9: {  	[sflag:s26] =	ssyncadd.s32 $0xFFFFF380  }
0xfa: {  	_ =	swait.ge [sflag:s26], $0xC80  }
0xfb: {  	[sflag:s26] =	ssyncset.done $0x0  }
0xfc: {  	[sflag:s26] =	ssyncadd.s32 $0xFFFFF380  }
0xfd: {  	_ =	swait.ge [sflag:s26], $0xC80  }
0xfe: {  	[sflag:s26] =	ssyncset.done $0x0  }
0xff: {  	s28 =	smov.u32 s1;
	s4 =	rddreg [dreg:$0x3];
	[sflag:s26] =	ssyncadd.s32 $0xFFFFF380  }
0x100: {  	[hbm4b:s31+s2] =	stream.linear.scatter [tilespmem:s11], [sflag:$0x4], $0xC800, $0x38;
	[tilespmem:$0x19700] =	vst v63  }
0x101: {  	s4 =	sadd.s32 s28, s4  }
0x102: {  	[tilespmem:s2], [sflag:$0x5] =	stream.linear.gather [hbm4b:s4+s2], $0x380, $0x38;
	[tilespmem:$0x19700] =	vst v63  }
0x103: {  	_ =	swait.ge [sflag:s6], $0x380  }
0x104: {  	p1 =	seq.s32 s28, $0x0;
	[sflag:s6] =	ssyncset.done $0x0  }
0x105: {  	s28 =	simm.s32 @!p1 $0x3;
	[sflag:s6] =	ssyncadd.s32 $0xFFFFFC80  }
0x106: {  	_ =	swait.ge @!p1 [sflag:s28], $0xC800  }
0x107: {  	s0 =	rddreg [dreg:$0xc]  }
0x108: {  	s30 =	rddreg [dreg:$0xd]  }
0x109: {  	s29 =	rddreg [dreg:$0x1b]  }
0x10a: {  	s12 =	rddreg [dreg:$0xa]  }
0x10b: {  	s13 =	rddreg [dreg:$0x17]  }
0x10c: {  	s14 =	rddreg [dreg:$0x9]  }
0x10d: {  	s15 =	rddreg [dreg:$0x13]  }
0x10e: {  	s16 =	rddreg [dreg:$0xf]  }
0x10f: {  	s17 =	rddreg [dreg:$0xb]  }
0x110: {  	s18 =	rddreg [dreg:$0x8]  }
0x111: {  	s19 =	rddreg [dreg:$0x6]  }
0x112: {  	s20 =	rddreg [dreg:$0x7]  }
0x113: {  	s21 =	rddreg [dreg:$0x4]  }
0x114: {  	s22 =	rddreg [dreg:$0x5]  }
0x115: {  	[sflag:s28] =	ssyncset.done @!p1 $0x0;
	s23 =	rddreg [dreg:$0xe]  }
0x116: {  	s24 =	rddreg [dreg:$0x11];
	[sflag:s28] =	ssyncadd.s32 @!p1 $0xFFFF3800  }
0x117: {  	[tilespmem:s8], [sflag:$0x1] =	stream.indirect.gather [hbm4b:s3+s7], $0x40, s2, s7, $0xb8;
	[tilespmem:$0x19700] =	vst v63  }
0x118: {  	s28 =	rddreg [dreg:$0x1f]  }
0x119: {  	[tilespmem:s22], [sflag:$0x1] =	stream.indirect.gather [hbm4b:s3+s7], $0x40, s21, s7, $0xb8;
	[tilespmem:$0x19700] =	vst v63  }
0x11a: {  	s21 =	rddreg [dreg:$0x10]  }
0x11b: {  	[tilespmem:s20], [sflag:$0x1] =	stream.indirect.gather [hbm4b:s3+s7], $0x40, s19, s7, $0xb8;
	[tilespmem:$0x19700] =	vst v63  }
0x11c: {  	s19 =	rddreg [dreg:$0x12]  }
0x11d: {  	[tilespmem:s14], [sflag:$0x1] =	stream.indirect.gather [hbm4b:s3+s7], $0x40, s18, s7, $0xb8;
	[tilespmem:$0x19700] =	vst v63  }
0x11e: {  	s14 =	rddreg [dreg:$0x15]  }
0x11f: {  	[tilespmem:s17], [sflag:$0x1] =	stream.indirect.gather [hbm4b:s3+s7], $0x40, s12, s7, $0xb8;
	[tilespmem:$0x19700] =	vst v63  }
0x120: {  	s18 =	rddreg [dreg:$0x18]  }
0x121: {  	[tilespmem:s30], [sflag:$0x1] =	stream.indirect.gather [hbm4b:s3+s7], $0x40, s0, s7, $0xb8;
	[tilespmem:$0x19700] =	vst v63  }
0x122: {  	s12 =	rddreg [dreg:$0x14]  }
0x123: {  	[tilespmem:s16], [sflag:$0x1] =	stream.indirect.gather [hbm4b:s3+s7], $0x40, s23, s7, $0xb8;
	[tilespmem:$0x19700] =	vst v63  }
0x124: {  	s17 =	rddreg [dreg:$0x19]  }
0x125: {  	[tilespmem:s24], [sflag:$0x1] =	stream.indirect.gather [hbm4b:s3+s7], $0x40, s21, s7, $0xb8;
	[tilespmem:$0x19700] =	vst v63  }
0x126: {  	s0 =	rddreg [dreg:$0x16]  }
0x127: {  	[tilespmem:s15], [sflag:$0x1] =	stream.indirect.gather [hbm4b:s3+s7], $0x40, s19, s7, $0xb8;
	[tilespmem:$0x19700] =	vst v63  }
0x128: {  	s30 =	rddreg [dreg:$0x1d]  }
0x129: {  	[tilespmem:s14], [sflag:$0x1] =	stream.indirect.gather [hbm4b:s3+s7], $0x40, s12, s7, $0xb8;
	[tilespmem:$0x19700] =	vst v63  }
0x12a: {  	s16 =	rddreg [dreg:$0x1e]  }
0x12b: {  	[tilespmem:s13], [sflag:$0x1] =	stream.indirect.gather [hbm4b:s3+s7], $0x40, s0, s7, $0xb8;
	[tilespmem:$0x19700] =	vst v63  }
0x12c: {  	s19 =	rddreg [dreg:$0x1a]  }
0x12d: {  	[tilespmem:s17], [sflag:$0x1] =	stream.indirect.gather [hbm4b:s3+s7], $0x40, s18, s7, $0xb8;
	[tilespmem:$0x19700] =	vst v63  }
0x12e: {  	s14 =	rddreg [dreg:$0x1c]  }
0x12f: {  	[tilespmem:s29], [sflag:$0x1] =	stream.indirect.gather [hbm4b:s3+s7], $0x40, s19, s7, $0xb8;
	[tilespmem:$0x19700] =	vst v63  }
0x130: {  	s17 =	sld [smem:$0x7EB]  }
0x131: {  	[tilespmem:s30], [sflag:$0x1] =	stream.indirect.gather [hbm4b:s3+s7], $0x40, s14, s7, $0xb8;
	[tilespmem:$0x19700] =	vst v63  }
0x132: {  	s18 =	sld [smem:$0x7EA]  }
0x133: {  	[tilespmem:s28], [sflag:$0x1] =	stream.indirect.gather [hbm4b:s3+s7], $0x40, s16, s7, $0xb8;
	[tilespmem:$0x19700] =	vst v63  }
0x134: {  	_ = 	snop  }
0x135: {  	[tilespmem:s17], [sflag:$0x1] =	stream.indirect.gather [hbm4b:s3+s7], $0x40, s18, s7, $0xb8;
	[tilespmem:$0x19700] =	vst v63  }
0x136: {  	_ =	swait.ge [sflag:s9], $0xC80  }
0x137: {  	[sflag:s9] =	ssyncset.done $0x0  }
0x138: {  	[sflag:s9] =	ssyncadd.s32 $0xFFFFF380  }
0x139: {  	_ =	swait.ge [sflag:s9], $0xC80  }
0x13a: {  	[sflag:s9] =	ssyncset.done $0x0  }
0x13b: {  	[sflag:s9] =	ssyncadd.s32 $0xFFFFF380  }
0x13c: {  	_ =	swait.ge [sflag:s9], $0xC80  }
0x13d: {  	[sflag:s9] =	ssyncset.done $0x0  }
0x13e: {  	[sflag:s9] =	ssyncadd.s32 $0xFFFFF380  }
0x13f: {  	_ =	swait.ge [sflag:s9], $0xC80  }
0x140: {  	[sflag:s9] =	ssyncset.done $0x0  }
0x141: {  	[sflag:s9] =	ssyncadd.s32 $0xFFFFF380  }
0x142: {  	_ =	swait.ge [sflag:s9], $0xC80  }
0x143: {  	[sflag:s9] =	ssyncset.done $0x0  }
0x144: {  	[sflag:s9] =	ssyncadd.s32 $0xFFFFF380  }
0x145: {  	_ =	swait.ge [sflag:s9], $0xC80  }
0x146: {  	[sflag:s9] =	ssyncset.done $0x0  }
0x147: {  	[sflag:s9] =	ssyncadd.s32 $0xFFFFF380  }
0x148: {  	_ =	swait.ge [sflag:s9], $0xC80  }
0x149: {  	[sflag:s9] =	ssyncset.done $0x0  }
0x14a: {  	[sflag:s9] =	ssyncadd.s32 $0xFFFFF380  }
0x14b: {  	_ =	swait.ge [sflag:s9], $0xC80  }
0x14c: {  	[sflag:s9] =	ssyncset.done $0x0  }
0x14d: {  	[sflag:s9] =	ssyncadd.s32 $0xFFFFF380  }
0x14e: {  	_ =	swait.ge [sflag:s9], $0xC80  }
0x14f: {  	[sflag:s9] =	ssyncset.done $0x0  }
0x150: {  	[sflag:s9] =	ssyncadd.s32 $0xFFFFF380  }
0x151: {  	_ =	swait.ge [sflag:s9], $0xC80  }
0x152: {  	[sflag:s9] =	ssyncset.done $0x0  }
0x153: {  	[sflag:s9] =	ssyncadd.s32 $0xFFFFF380  }
0x154: {  	_ =	swait.ge [sflag:s9], $0xC80  }
0x155: {  	[sflag:s9] =	ssyncset.done $0x0  }
0x156: {  	[sflag:s9] =	ssyncadd.s32 $0xFFFFF380  }
0x157: {  	_ =	swait.ge [sflag:s9], $0xC80  }
0x158: {  	[sflag:s9] =	ssyncset.done $0x0  }
0x159: {  	[sflag:s9] =	ssyncadd.s32 $0xFFFFF380  }
0x15a: {  	_ =	swait.ge [sflag:s9], $0xC80  }
0x15b: {  	[sflag:s9] =	ssyncset.done $0x0  }
0x15c: {  	[sflag:s9] =	ssyncadd.s32 $0xFFFFF380  }
0x15d: {  	_ =	swait.ge [sflag:s9], $0xC80  }
0x15e: {  	[sflag:s9] =	ssyncset.done $0x0  }
0x15f: {  	[sflag:s9] =	ssyncadd.s32 $0xFFFFF380  }
0x160: {  	_ =	swait.ge [sflag:s9], $0xC80  }
0x161: {  	[sflag:s9] =	ssyncset.done $0x0  }
0x162: {  	[sflag:s9] =	ssyncadd.s32 $0xFFFFF380  }
0x163: {  	_ =	swait.ge [sflag:s9], $0xC80  }
0x164: {  	s5 =	sadd.s32 $0x3200, s5;
	[sflag:s9] =	ssyncset.done $0x0  }
0x165: {  	s19 =	sadd.s32 $0xFFFFE700, s5;
	[sflag:s9] =	ssyncadd.s32 $0xFFFFF380  }
0x166: {  	[hbm4b:s19+s2] =	stream.linear.scatter [tilespmem:s8], [sflag:$0x3], $0xC800, $0x38;
	[tilespmem:$0x19700] =	vst v63  }
0x167: {  	s28 =	sadd.s32 $0x70, s4  }
0x168: {  	[tilespmem:s10], [sflag:$0x5] =	stream.linear.gather [hbm4b:s28+s2], $0x380, $0x38;
	[tilespmem:$0x19700] =	vst v63  }
0x169: {  	_ =	swait.ge [sflag:s6], $0x380  }
0x16a: {  	[sflag:s6] =	ssyncset.done $0x0  }
0x16b: {  	s0 =	simm.s32 @!p1 $0x4;
	[sflag:s6] =	ssyncadd.s32 $0xFFFFFC80  }
0x16c: {  	_ =	swait.ge @!p1 [sflag:s0], $0xC800  }
0x16d: {  	s4 =	sld [smem:$0x7FD]  }
0x16e: {  	s29 =	sld [smem:$0x7EF]  }
0x16f: {  	s12 =	sld [smem:$0x7F9]  }
0x170: {  	s13 =	sld [smem:$0x7F2]  }
0x171: {  	s14 =	sld [smem:$0x7F0]  }
0x172: {  	s30 =	sld [smem:$0x7EE]  }
0x173: {  	s17 =	sld [smem:$0x7EC]  }
0x174: {  	[sflag:s0] =	ssyncset.done @!p1 $0x0;
	s18 =	sld [smem:$0x7ED]  }
0x175: {  	s28 =	sld [smem:$0x7F4];
	[sflag:s0] =	ssyncadd.s32 @!p1 $0xFFFF3800  }
0x176: {  	[tilespmem:s11], [sflag:$0x2] =	stream.indirect.gather [hbm4b:s3+s7], $0x40, s10, s7, $0xb8;
	[tilespmem:$0x19700] =	vst v63  }
0x177: {  	s19 =	sld [smem:$0x7FB]  }
0x178: {  	[tilespmem:s18], [sflag:$0x2] =	stream.indirect.gather [hbm4b:s3+s7], $0x40, s17, s7, $0xb8;
	[tilespmem:$0x19700] =	vst v63  }
0x179: {  	s16 =	sld [smem:$0x7F6]  }
0x17a: {  	[tilespmem:s29], [sflag:$0x2] =	stream.indirect.gather [hbm4b:s3+s7], $0x40, s30, s7, $0xb8;
	[tilespmem:$0x19700] =	vst v63  }
0x17b: {  	s29 =	sld [smem:$0x7F3]  }
0x17c: {  	[tilespmem:s13], [sflag:$0x2] =	stream.indirect.gather [hbm4b:s3+s7], $0x40, s14, s7, $0xb8;
	[tilespmem:$0x19700] =	vst v63  }
0x17d: {  	s30 =	sld [smem:$0x7F5]  }
0x17e: {  	[tilespmem:s28], [sflag:$0x2] =	stream.indirect.gather [hbm4b:s3+s7], $0x40, s29, s7, $0xb8;
	[tilespmem:$0x19700] =	vst v63  }
0x17f: {  	s28 =	sld [smem:$0x7F8]  }
0x180: {  	[tilespmem:s16], [sflag:$0x2] =	stream.indirect.gather [hbm4b:s3+s7], $0x40, s30, s7, $0xb8;
	[tilespmem:$0x19700] =	vst v63  }
0x181: {  	s29 =	sld [smem:$0x7FA]  }
0x182: {  	[tilespmem:s12], [sflag:$0x2] =	stream.indirect.gather [hbm4b:s3+s7], $0x40, s28, s7, $0xb8;
	[tilespmem:$0x19700] =	vst v63  }
0x183: {  	s30 =	sld [smem:$0x7FC]  }
0x184: {  	[tilespmem:s19], [sflag:$0x2] =	stream.indirect.gather [hbm4b:s3+s7], $0x40, s29, s7, $0xb8;
	[tilespmem:$0x19700] =	vst v63  }
0x185: {  	_ = 	snop  }
0x186: {  	[tilespmem:s4], [sflag:$0x2] =	stream.indirect.gather [hbm4b:s3+s7], $0x40, s30, s7, $0xb8;
	[tilespmem:$0x19700] =	vst v63  }
0x187: {  	s13 =	simm.s32 $0x13F80;
	s12 =	simm.s32 $0x578  }
0x188: {  	[tilespmem:s13], [sflag:$0x2] =	stream.indirect.gather [hbm4b:s3+s7], $0x40, s12, s7, $0xb8;
	[tilespmem:$0x19700] =	vst v63  }
0x189: {  	s15 =	simm.s32 $0x14C00;
	s14 =	simm.s32 $0x5B0  }
0x18a: {  	[tilespmem:s15], [sflag:$0x2] =	stream.indirect.gather [hbm4b:s3+s7], $0x40, s14, s7, $0xb8;
	[tilespmem:$0x19700] =	vst v63  }
0x18b: {  	s17 =	simm.s32 $0x15880;
	s16 =	simm.s32 $0x5E8  }
0x18c: {  	[tilespmem:s17], [sflag:$0x2] =	stream.indirect.gather [hbm4b:s3+s7], $0x40, s16, s7, $0xb8;
	[tilespmem:$0x19700] =	vst v63  }
0x18d: {  	s18 =	simm.s32 $0x620;
	s19 =	simm.s32 $0x16500  }
0x18e: {  	[tilespmem:s19], [sflag:$0x2] =	stream.indirect.gather [hbm4b:s3+s7], $0x40, s18, s7, $0xb8;
	[tilespmem:$0x19700] =	vst v63  }
0x18f: {  	s20 =	simm.s32 $0x658;
	s21 =	simm.s32 $0x17180  }
0x190: {  	[tilespmem:s21], [sflag:$0x2] =	stream.indirect.gather [hbm4b:s3+s7], $0x40, s20, s7, $0xb8;
	[tilespmem:$0x19700] =	vst v63  }
0x191: {  	s22 =	simm.s32 $0x690;
	s23 =	simm.s32 $0x17E00  }
0x192: {  	[tilespmem:s23], [sflag:$0x2] =	stream.indirect.gather [hbm4b:s3+s7], $0x40, s22, s7, $0xb8;
	[tilespmem:$0x19700] =	vst v63  }
0x193: {  	s24 =	simm.s32 $0x6C8  }
0x194: {  	[tilespmem:s25], [sflag:$0x2] =	stream.indirect.gather [hbm4b:s3+s7], $0x40, s24, s7, $0xb8;
	[tilespmem:$0x19700] =	vst v63  }
0x195: {  	_ =	swait.ge [sflag:s26], $0xC80  }
0x196: {  	[sflag:s26] =	ssyncset.done $0x0  }
0x197: {  	[sflag:s26] =	ssyncadd.s32 $0xFFFFF380  }
0x198: {  	_ =	swait.ge [sflag:s26], $0xC80  }
0x199: {  	[sflag:s26] =	ssyncset.done $0x0  }
0x19a: {  	[sflag:s26] =	ssyncadd.s32 $0xFFFFF380  }
0x19b: {  	_ =	swait.ge [sflag:s26], $0xC80  }
0x19c: {  	[sflag:s26] =	ssyncset.done $0x0  }
0x19d: {  	[sflag:s26] =	ssyncadd.s32 $0xFFFFF380  }
0x19e: {  	_ =	swait.ge [sflag:s26], $0xC80  }
0x19f: {  	[sflag:s26] =	ssyncset.done $0x0  }
0x1a0: {  	[sflag:s26] =	ssyncadd.s32 $0xFFFFF380  }
0x1a1: {  	_ =	swait.ge [sflag:s26], $0xC80  }
0x1a2: {  	[sflag:s26] =	ssyncset.done $0x0  }
0x1a3: {  	[sflag:s26] =	ssyncadd.s32 $0xFFFFF380  }
0x1a4: {  	_ =	swait.ge [sflag:s26], $0xC80  }
0x1a5: {  	[sflag:s26] =	ssyncset.done $0x0  }
0x1a6: {  	[sflag:s26] =	ssyncadd.s32 $0xFFFFF380  }
0x1a7: {  	_ =	swait.ge [sflag:s26], $0xC80  }
0x1a8: {  	[sflag:s26] =	ssyncset.done $0x0  }
0x1a9: {  	s1 =	sadd.s32 $0xE0, s1;
	[sflag:s26] =	ssyncadd.s32 $0xFFFFF380  }
0x1aa: {  	p0 =	sne.s32 s1, $0xE00;
	_ =	swait.ge [sflag:s26], $0xC80  }
.Ltmp0:
0x1ab: {  	[sflag:s26] =	ssyncset.done $0x0;
	(pc) =	sbr.rel @p0 .LBB2_2-.Ltmp0, $4  }
0x1ac: {  	[sflag:s26] =	ssyncadd.s32 $0xFFFFF380  }
0x1ad: {  	_ =	swait.ge [sflag:s26], $0xC80  }
0x1ae: {  	[sflag:s26] =	ssyncset.done $0x0  }
0x1af: {  	s31 =	smov.u32 s5;
	[sflag:s26] =	ssyncadd.s32 $0xFFFFF380  }
0x1b0: {  	_ =	swait.ge [sflag:s26], $0xC80  }
0x1b1: {  	[sflag:s26] =	ssyncset.done $0x0  }
0x1b2: {  	[sflag:s26] =	ssyncadd.s32 $0xFFFFF380  }
0x1b3: {  	_ =	swait.ge [sflag:s26], $0xC80  }
0x1b4: {  	[sflag:s26] =	ssyncset.done $0x0  }
0x1b5: {  	[sflag:s26] =	ssyncadd.s32 $0xFFFFF380  }
0x1b6: {  	_ =	swait.ge [sflag:s26], $0xC80  }
0x1b7: {  	[sflag:s26] =	ssyncset.done $0x0  }
0x1b8: {  	[sflag:s26] =	ssyncadd.s32 $0xFFFFF380  }
0x1b9: {  	_ =	swait.ge [sflag:s26], $0xC80  }
0x1ba: {  	[sflag:s26] =	ssyncset.done $0x0  }
0x1bb: {  	[sflag:s26] =	ssyncadd.s32 $0xFFFFF380  }
0x1bc: {  	_ =	swait.ge [sflag:s26], $0xC80  }
0x1bd: {  	[sflag:s26] =	ssyncset.done $0x0  }
0x1be: {  	[sflag:s26] =	ssyncadd.s32 $0xFFFFF380  }
0x1bf: {  	_ =	swait.ge [sflag:s26], $0xC80  }
0x1c0: {  	[sflag:s26] =	ssyncset.done $0x0  }
0x1c1: {  	[sflag:s26] =	ssyncadd.s32 $0xFFFFF380  }
0x1c2: {  	_ =	swait.ge [sflag:s26], $0xC80  }
0x1c3: {  	[sflag:s26] =	ssyncset.done $0x0  }
0x1c4: {  	s0 =	simm.s32 $0x3;
	[sflag:s26] =	ssyncadd.s32 $0xFFFFF380  }
0x1c5: {  	[hbm4b:s31+s2] =	stream.linear.scatter [tilespmem:s11], [sflag:$0x4], $0xC800, $0x38;
	[tilespmem:$0x19700] =	vst v63  }
0x1c6: {  	_ =	swait.ge [sflag:s0], $0xC800  }
0x1c7: {  	[sflag:s0] =	ssyncset.done $0x0  }
0x1c8: {  	s1 =	simm.s32 $0x4;
	[sflag:s0] =	ssyncadd.s32 $0xFFFF3800  }
0x1c9: {  	_ =	swait.ge [sflag:s1], $0xC800  }
0x1ca: {  	s4 =	sld [smem:$0x7E9]  }
0x1cb: {  	s31 =	sld [smem:$0x7F1];
	_ =	sdelay $0x1  }
0x1cc: {  	s4 =	sadd.s32 $0x1, s4  }
0x1cd: {  	p0 =	sne.s32 s4, s31  }
.Ltmp1:
0x1ce: {  	_ = 	snop;
	(pc) =	sbr.rel @p0 .LBB2_1-.Ltmp1, $3  }
0x1cf: {  	_ =	sdelay $0x1  }
0x1d0: {  	[sflag:s1] =	ssyncset.done $0x0  }
0x1d1: {  	[sflag:s1] =	ssyncadd.s32 $0xFFFF3800  }
0x1d2: {  	_ =	sfence.sel $0x180000  }
0x1d3: {  	[bflag:$0x0] =	sbarrier.arrive $0xFFFF  }
0x1d4: {  	_ =	strace $0x90000047  }
0x1d5: {  	s0 =	stileid.u32;
	[bflag:$0x2] =	sbarrier.arrive $0xFFFF  }
0x1d6: {  	p0 =	sne.s32 s0, $0x0;
	s0 =	rddreg [dreg:$0x2]  }
0x1d7: {  	s0 =	sadd.s32 @!p0 $0x100000, s0  }
0x1d8: {  	[sflag:s0] =	ssyncadd.tile.s32 @!p0 $0x1;
	_ =	shalt  }
.Lfunc_end2:
_tile_overlayer_lowered:
.L_overlay_start_2:
0x1d9: {  	(tag) =	ssettag $0x2  }
0x1da: {  	s0 =	rddreg [dreg:$0x0];
	s2 =	stileid.u32  }
0x1db: {  	s1 =	rddreg [dreg:$0x1];
	p0 =	sne.s32 s2, $0x0  }
0x1dc: {  	s3 =	rddreg [dreg:$0x2];
	[bflag:$0x3] =	sbarrier.arrive $0xFFFF;
	s2 =	simm.s32 @!p0 $0x1C05  }
0x1dd: {  	[timem:s3], [sflag:s2] =	dma.local @!p0 [hbm:s0], s1  }
0x1de: {  	s0 =	simm.s32 @!p0 $0x5  }
0x1df: {  	_ =	swait.ge @!p0 [sflag:s0], s1  }
0x1e0: {  	s1 =	ssub.s32 @!p0 $0x0, s1;
	[sflag:s0] =	ssyncset.done @!p0 $0x0  }
0x1e1: {  	[sflag:s0] =	ssyncadd.s32 @!p0 s1  }
0x1e2: {  	[bflag:$0x3] =	sbarrier.arrive $0xFFFF  }
0x1e3: {  	_ =	shalt  }

// kernel: sparse-core-data-format-call.cloned.1.call-start
scs
called_computation_lowered:
.L_overlay_start_0:
0x0: {  	s2 =	sld [smem:$0x3FD9]  }
0x1: {  	s3 =	sld [smem:$0x3FFE];
	_ =	sdelay $0x1  }
0x2: {  	s1 =	srdreg.scid  }
0x3: {  	s0 =	sand.u32 $0x1, s1  }
0x4: {  	s18 =	sshll.u32 s0, $0xA;
	s2 =	sadd.s32 s3, s2  }
0x5: {  	s2 =	sadd.s32 s2, s18  }
0x6: {  	[smem:$0x3FC6] =	sst s2  }
0x7: {  	_ = 	snop  }
0x8: {  	s2 =	sld [smem:$0x3FD0];
	(tm) =	ssettm $0x1  }
0x9: {  	s19 =	sld [smem:$0x3FFB];
	_ =	sdelay $0x3  }
0xa: {  	_ =	strace s19  }
0xb: {  	s3 =	sld [smem:$0x3FFC];
	_ =	sdelay $0x3  }
0xc: {  	_ =	strace s3  }
0xd: {  	s3 =	sld [smem:$0x3FFD];
	_ =	sdelay $0x3  }
0xe: {  	_ =	strace s3  }
0xf: {  	_ =	strace $0x8FFFFFFF  }
0x10: {  	s20 =	sld [smem:$0x3FDB];
	_ =	sdelay $0x1  }
0x11: {  	s4 =	simm.s32 $_scs_section_size  }
0x12: {  	s5 =	simm.s32 $_size__tile_overlayer_lowered;
	s6 =	simm.s32 $_tile_overlayer_lowered  }
0x13: {  	s23 =	simm.s32 $0x1BFF;
	s22 =	sshll.u32 s6, $0x1;
	s3 =	sadd.s32 s4, s20  }
0x14: {  	s7 =	simm.s32 $0x0;
	s21 =	sshll.u32 s5, $0x1;
	s5 =	sadd.s32 s22, s3  }
0x15: {  	[timem:s7], [sflag:s23] =	dma.local [hbm:s5], s21  }
0x16: {  	_ =	swait.ge [sflag:s23], s21  }
0x17: {  	s4 =	ssub.s32 $0x0, s21;
	[sflag:s23] =	ssyncset.done $0x0  }
0x18: {  	[sflag:s23] =	ssyncadd.s32 s4;
	_ =	sdelay $0x1  }
0x19: {  	s24 =	simm.s32 $0x1B8B  }
0x1a: {  	_ =	swait.ge [sflag:s24], $0x1  }
0x1b: {  	[sflag:s24] =	ssyncset.done $0x0  }
0x1c: {  	s26 =	simm.s32 $0x1B8E;
	s25 =	sld [smem:$0x3FFE];
	[sflag:s24] =	ssyncadd.s32 $0xFFFFFFFF  }
0x1d: {  	s27 =	simm.s32 $execute0_lowered;
	[smem:$0x3FD2] =	sst s26  }
0x1e: {  	s5 =	sshll.u32 s27, $0x1;
	_ =	strace $0x80000049;
	[dreg:$0x1] =	wrdreg $0xFFFFFFFF  }
0x1f: {  	s28 =	simm.s32 $_size_execute0_lowered;
	s3 =	sadd.s32 s3, s5;
	[dreg:$0x0] =	wrdreg $0x0  }
0x20: {  	s5 =	sshll.u32 s28, $0x1;
	[dreg:$0x2] =	wrdreg s3  }
0x21: {  	[dreg:$0x3] =	wrdreg s5  }
0x22: {  	[dreg:$0x4] =	wrdreg $0xC0  }
0x23: {  	_ =	task [dreg:s7], $0x5FFFF  }
0x24: {  	[dreg:$0x1] =	wrdreg $0xFFFFFFFF  }
0x25: {  	[dreg:$0x0] =	wrdreg $0x60  }
0x26: {  	[dreg:$0x2] =	wrdreg s25  }
0x27: {  	[dreg:$0x3] =	wrdreg s2  }
0x28: {  	[dreg:$0x4] =	wrdreg $0x9  }
0x29: {  	_ =	task.clear_ibuf [dreg:s7], $0x5FFFF;
	_ =	strace $0x90000049  }
0x2a: {  	s29 =	simm.s32 $0x9;
	_ =	strace $0x8000004B  }
0x2b: {  	_ =	swait.ge [sflag:s29], $0x1  }
0x2c: {  	[sflag:s29] =	ssyncadd.s32 $0xFFFFFFFF  }
0x2d: {  	_ =	strace $0x9000004B  }
0x2e: {  	_ =	sfence  }
0x2f: {  	s30 =	sld [smem:$0x0];
	_ =	sdelay $0x2  }
0x30: {  	s31 =	sshll.u32 s1, $0xD;
	s1 =	sshrl.u32 s1, $0x2  }
0x31: {  	s3 =	sand.u32 $0x4000, s31;
	s1 =	sadd.s32 s1, s30  }
0x32: {  	s0 =	sor.u32 s3, s0;
	s1 =	sshll.u32 s1, $0x11  }
0x33: {  	s0 =	sor.u32 s1, s0  }
0x34: {  	s0 =	sadd.s32 $0x8F2B, s0  }
0x35: {  	[sflag:s0] =	ssyncadd.remote.s32 $0x1  }
0x36: {  	_ =	sfence.sel $0xFFFF  }
0x37: {  	[dreg:$0x0] =	wrdreg $0xFFFFFFFF;
	(pc) =	sbr.abs _section_cstart, $3  }
0x38: {  	[dreg:$0x1] =	wrdreg $0xFFFFFFFF  }
0x39: {  	_ =	task.clear_ibuf [dreg:s7], $0x2FFFF;
	_ =	strace $0x9FFFFFFF  }
0x3a: {  	(tm) =	ssettm $0x7FFFFFFF  }
0x3b: {  	_ =	shalt  }
tec
execute0_lowered:
.L_overlay_start_1:
0x0: {  	(tag) =	ssettag $0x1  }
0x1: {  	s0 =	srdreg.scid  }
0x2: {  	s1 =	sshll.u32 s0, $0x4  }
0x3: {  	s0 =	stileid.u32;
	s1 =	sand.u32 $0x10, s1  }
0x4: {  	s1 =	sor.u32 s0, s1  }
0x5: {  	s6 =	rddreg [dreg:$0x0];
	s4 =	simm.s32 $0x1;
	s2 =	sshll.u32 s1, $0x7  }
0x6: {  	s7 =	simm.s32 $0x2;
	s12 =	simm.s32 $0x0;
	s1 =	ssub.s32 $0x4000, s2  }
0x7: {  	s8 =	simm.s32 $0x20000;
	s13 =	simm.s32 $0x0;
	s3 =	sand.u32 $0xF80, s1  }
0x8: {  	s9 =	simm.s32 $0x0;
	s5 =	sshrl.u32 s1, $0xC;
	p0 =	sne.s32 s3, $0x0  }
.Ltmp0:
0x9: {  	s1 =	rddreg [dreg:$0x2];
	s4 =	simm.s32 @!p0 $0x0;
	(pc) =	sbr.rel .LBB1_1-.Ltmp0, $4  }
0xa: {  	s11 =	simm.s32 $0x0;
	s3 =	rddreg [dreg:$0x1];
	s5 =	sadd.s32 s4, s5  }
0xb: {  	_ =	strace $0x8000004A;
	s4 =	simm.s32 $0x1;
	s5 =	smul.u32 $0x32, s5  }
0xc: {  	s6 =	sadd.s32 $0xA00, s6;
	s10 =	smov.u32 s2;
	[sflag:s4] =	ssyncpa.u1 $0x0  }
0xd: {  	p0 =	por $0x0, $0x0;
	[sflag:s7] =	ssyncpa.u1 $0x0;
	s7 =	sor.u32 $0x1, s5  }
.LBB1_4:
0xe: {  	s16 =	sshll.u32 s13, $0x3;
	s17 =	sand.u32 $0x78, s13  }
0xf: {  	s30 =	sand.u32 $0x1F800, s13;
	s12 =	sshll.u32 s12, $0x11;
	s16 =	sand.u32 $0x3C00, s16  }
0x10: {  	[tilespmem:s15+$0x810 ss:$0x81] =	vst.msk $0xffff, v2;
	s31 =	sand.u32 $0x7, s13;
	s16 =	sor.u32 s17, s16;
	s17 =	sadd.s32 s3, s30  }
0x11: {  	[tilespmem:s15+$0x1020 ss:$0x81] =	vst.msk $0xffff, v0;
	s13 =	sshll.u32 s31, $0x12;
	s12 =	sadd.s32 s12, s17;
	s16 =	sshrl.u32 s16, $0x3  }
0x12: {  	[tilespmem:s15+$0x0 ss:$0x81] =	vst.msk $0xffff, v1;
	s13 =	sor.u32 $0x400, s13;
	s12 =	sadd.s32 s16, s12  }
0x13: {  	[hbm4b:s12+s13] =	stream.strided.scatter [tilespmem:s14], [sflag:$0x2], $0x2000, s8, s13, $0x20;
	[tilespmem:$0x8080] =	vst v63  }
.LBB1_5:
0x14: {  	s14 =	sadd.s32 $0x1, s9  }
0x15: {  	s12 =	sadd.s32 $0x1000, s10;
	s16 =	smov.u32 s10;
	p2 =	sgt.s32 s14, $0x31  }
0x16: {  	s16 =	smov.u32 @p2 s12  }
0x17: {  	s14 =	simm.s32 @p2 $0x0;
	p2 =	sgt.s32 s16, $0x3FFF  }
0x18: {  	s16 =	smov.u32 @p2 s2;
	p2 =	sne.s32 s11, s7  }
.Ltmp1:
0x19: {  	p1 =	slt.u32 s11, $0x2;
	(pc) =	sbr.rel @!p2 .LBB1_6-.Ltmp1, $4  }
0x1a: {  	s15 =	simm.s32 @!p1 $0x2  }
0x1b: {  	s13 =	smov.u32 s10;
	p0 =	por !p0, !p0;
	_ =	swait.ge @!p1 [sflag:s15], $0x2000  }
0x1c: {  	s12 =	smov.u32 s9;
	[sflag:s15] =	ssyncset.done @!p1 $0x0;
	s9 =	smov.u32 s14  }
0x1d: {  	s11 =	sadd.s32 $0x1, s11;
	[sflag:s15] =	ssyncadd.s32 @!p1 $0xFFFFE000;
	s10 =	smov.u32 s16  }
.LBB1_1:
0x1e: {  	p1 =	sge.u32 s11, s5  }
0x1f: {  	s14 =	sand.u32 @!p1 $0x1FFFFFF, s9  }
0x20: {  	s15 =	smulhi.u32 @!p1 $0x4924925, s14;
	_ =	sdelay $0x1  }
0x21: {  	s15 =	smul.u32 @!p1 $0x38, s15  }
0x22: {  	s16 =	sxor.u32 @!p1 $0xFFFFFFFF, s11;
	s17 =	smul.u32 @!p1 $0x380, s10  }
0x23: {  	s31 =	sadd.s32 $0xFFFFFFFF, s11;
	s16 =	sshll.u32 @!p1 s16, $0xD;
	s14 =	ssub.s32 @!p1 s14, s15  }
0x24: {  	s15 =	sand.u32 @!p1 $0x2000, s16;
	s16 =	sadd.s32 @!p1 s6, s17;
	s14 =	sshll.u32 @!p1 s14, $0x4  }
0x25: {  	s17 =	simm.s32 @!p1 $0x1C00;
	s14 =	sadd.s32 @!p1 s14, s16;
	s16 =	simm.s32 @!p1 $0x40  }
0x26: {  	[tilespmem:s15], [sflag:$0x1] =	stream.strided.gather @!p1 [hbm4b:s14+s16], $0x2000, s17, s16, $0x38;
	[tilespmem:$0x8080] =	vst v63  }
0x27: {  	p1 =	sge.u32 s31, s5  }
.Ltmp2:
0x28: {  	_ = 	snop;
	(pc) =	sbr.rel @p1 .LBB1_5-.Ltmp2, $1  }
0x29: {  	_ =	sdelay $0x3  }
0x2a: {  	s14 =	simm.s32 $0x1  }
0x2b: {  	_ =	swait.ge [sflag:s4], $0x2000;
	s14 =	simm.s32 @!p0 $0x0  }
0x2c: {  	[sflag:s4] =	ssyncset.done $0x0;
	s15 =	sshll.u32 s14, $0xD  }
0x2d: {  	[sflag:s4] =	ssyncadd.s32 $0xFFFFE000;
	s18 =	sor.u32 $0x20, s15  }
0x2e: {  	s14 =	smul.u32 $0x8100, s14;
	v3 =	vld [tilespmem:s18+$0x10]  }
0x2f: {  	s30 =	sand.u32 $0x1, s11;
	v2 =	vld [tilespmem:s18+$0xFFFFFFF0]  }
0x30: {  	s15 =	smul.u32 $0x8100, s30;
	s14 =	sshrl.u32 s14, $0x2;
	v0 =	vld [tilespmem:s18+$0x0]  }
0x31: {  	v1 =	vld [tilespmem:s18+$0xFFFFFFE0];
	s16 =	sor.u32 $0x4000, s14  }
0x32: {  	s31 =	sshrl.u32 s15, $0x2;
	s15 =	sadd.s32 $0x0, s16  }
0x33: {  	s17 =	simm.s32 $0x4;
	s18 =	sadd.s32 $0x40, s18;
	s14 =	sor.u32 $0x4000, s31;
	[tilespmem:s15+$0x1830 ss:$0x81] =	vst.msk $0xffff, v3  }
.LBB1_3:
0x34: {  	v3 =	vld [tilespmem:s18+$0x10];
	p1 =	sne.s32 s17, $0x1FC;
	[tilespmem:s15+$0x810 ss:$0x81] =	vst.msk $0xffff, v2;
	s19 =	smov.u32 s17;
	s17 =	sadd.s32 $0x4, s17  }
.Ltmp3:
0x35: {  	v2 =	vld [tilespmem:s18+$0xFFFFFFF0];
	[tilespmem:s15+$0x1020 ss:$0x81] =	vst.msk $0xffff, v0;
	(pc) =	sbr.rel @p1 .LBB1_3-.Ltmp3, $4  }
0x36: {  	v0 =	vld [tilespmem:s18+$0x0];
	[tilespmem:s15+$0x0 ss:$0x81] =	vst.msk $0xffff, v1  }
0x37: {  	s15 =	sshra.s32 s19, $0x2;
	v1 =	vld [tilespmem:s18+$0xFFFFFFE0]  }
0x38: {  	s15 =	sadd.s32 s15, s16  }
0x39: {  	s18 =	sadd.s32 $0x40, s18;
	[tilespmem:s15+$0x1830 ss:$0x81] =	vst.msk $0xffff, v3  }
.Ltmp4:
0x3a: {  	_ = 	snop;
	(pc) =	sbr.rel .LBB1_4-.Ltmp4, $1  }
0x3b: {  	_ =	sdelay $0x3  }
.LBB1_6:
0x3c: {  	_ =	sfence.sel $0x180000  }
0x3d: {  	s2 =	simm.s32 $0x1;
	[bflag:$0x0] =	sbarrier.arrive $0xFFFF  }
0x3e: {  	s31 =	simm.s32 $0x2;
	[sflag:s2] =	ssyncpa.u1 $0x1  }
0x3f: {  	[sflag:s31] =	ssyncpa.u1 $0x1  }
0x40: {  	p0 =	sne.s32 s0, $0x0;
	_ =	strace $0x9000004A  }
0x41: {  	s0 =	sadd.s32 @!p0 $0x100000, s1;
	[bflag:$0x2] =	sbarrier.arrive $0xFFFF  }
0x42: {  	[sflag:s0] =	ssyncadd.tile.s32 @!p0 $0x1;
	_ =	shalt  }
.Lfunc_end1:
_tile_overlayer_lowered:
.L_overlay_start_2:
0x43: {  	(tag) =	ssettag $0x2  }
0x44: {  	s0 =	rddreg [dreg:$0x0];
	s2 =	stileid.u32  }
0x45: {  	s1 =	rddreg [dreg:$0x1];
	p0 =	sne.s32 s2, $0x0  }
0x46: {  	s3 =	rddreg [dreg:$0x2];
	[bflag:$0x3] =	sbarrier.arrive $0xFFFF;
	s2 =	simm.s32 @!p0 $0x1C01  }
0x47: {  	[timem:s3], [sflag:s2] =	dma.local @!p0 [hbm:s0], s1  }
0x48: {  	s0 =	simm.s32 @!p0 $0x1  }
0x49: {  	_ =	swait.ge @!p0 [sflag:s0], s1  }
0x4a: {  	s1 =	ssub.s32 @!p0 $0x0, s1;
	[sflag:s0] =	ssyncset.done @!p0 $0x0  }
0x4b: {  	[sflag:s0] =	ssyncadd.s32 @!p0 s1  }
0x4c: {  	[bflag:$0x3] =	sbarrier.arrive $0xFFFF  }
0x4d: {  	_ =	shalt  }

</sc_bundles>
